<compile_context>
chip_gen: v7x
topology: tpu7x:2x2x1
jax: 0.10.2.dev20260603
libtpu: 0.0.44.dev20260713+nightly
codegen_flags: <defaults>
</compile_context>

<pallas_src>
import functools

import jax
import jax.numpy as jnp
from jax import lax
from jax.experimental import pallas as pl
from jax.experimental.pallas import tpu as pltpu
from jax.experimental.pallas import tpu_sc as plsc

_NUM_CORES = 2
_NUM_SUBCORES = 16
_NUM_WORKERS = _NUM_CORES * _NUM_SUBCORES
_LANES = 16
_BITS = 8


@functools.cache
def _encode_kernel(total_tokens):
    assert total_tokens % (_NUM_WORKERS * _LANES) == 0
    tokens_per_worker = total_tokens // _NUM_WORKERS
    floats_per_worker = tokens_per_worker * _BITS
    groups = tokens_per_worker // _LANES

    mesh = plsc.VectorSubcoreMesh(core_axis_name="c", subcore_axis_name="s")

    @functools.partial(
        pl.kernel,
        out_type=jax.ShapeDtypeStruct((total_tokens,), jnp.int32),
        mesh=mesh,
        scratch_types=[
            pltpu.VMEM((floats_per_worker,), jnp.float32),
            pltpu.VMEM((tokens_per_worker,), jnp.int32),
        ],
        compiler_params=pltpu.CompilerParams(needs_layout_passes=False),
    )
    def body(x_hbm, out_hbm, x_v, out_v):
        wid = lax.axis_index("s") * _NUM_CORES + lax.axis_index("c")
        pltpu.sync_copy(
            x_hbm.at[pl.ds(wid * floats_per_worker, floats_per_worker)], x_v
        )

        lanes = lax.iota(jnp.int32, _LANES)
        offs = []
        wts = []
        for i in range(_BITS):
            bit = (lanes + i) & (_BITS - 1)
            offs.append(lanes * _BITS + bit)
            wts.append((1 << bit).astype(jnp.int32))
        izero = jnp.zeros((_LANES,), jnp.int32)
        fzero = jnp.zeros((_LANES,), jnp.float32)
        fone = fzero + 1.0
        fhalf = fzero + 0.5

        def group_body(g, carry):
            base = g * (_LANES * _BITS)
            vs = [plsc.load_gather(x_v, [base + offs[i]]) for i in range(_BITS)]
            xbs = []
            for v in vs:
                u = plsc.bitcast(v, jnp.int32)
                r = u + jnp.int32(0x7FFF) + ((u >> 16) & 1)
                xbs.append(plsc.bitcast(r & jnp.int32(-0x10000), jnp.float32))
            wins = [xb > 0.5 for xb in xbs]
            ties = [xb == 0.5 for xb in xbs]

            acc = izero
            m_tok = fzero
            p_tok = fzero
            for i in range(_BITS):
                acc = acc + jnp.where(wins[i], wts[i], izero)
                m_tok = m_tok + jnp.where(wins[i], xbs[i], fzero)
                p_tok = p_tok + jnp.where(wins[i], fone, fzero)

            sqs = [v * v for v in vs]
            s_a = sqs[0] + sqs[4]
            s_b = sqs[1] + sqs[5]
            s_c = sqs[2] + sqs[6]
            s_d = sqs[3] + sqs[7]
            a_tok = (s_a + s_c) + (s_b + s_d)

            for i in range(_BITS):
                t2m = 2.0 * m_tok
                d0 = (a_tok - t2m) + p_tok
                d1 = (a_tok - (t2m + 1.0)) + (p_tok + 1.0)
                take = ties[i] & (d1 < d0)
                acc = acc + jnp.where(take, wts[i], izero)
                m_tok = m_tok + jnp.where(take, fhalf, fzero)
                p_tok = p_tok + jnp.where(take, fone, fzero)

            out_v[pl.ds(g * _LANES, _LANES)] = acc
            return carry

        lax.fori_loop(0, groups, group_body, 0)
        pltpu.sync_copy(
            out_v, out_hbm.at[pl.ds(wid * tokens_per_worker, tokens_per_worker)]
        )

    return body


def kernel(projection_windows, emb_weight):
    del emb_weight
    shape = projection_windows.shape
    assert shape[-2:] == (2, 4)
    total_tokens = 1
    for d in shape[:-2]:
        total_tokens *= d
    flat = projection_windows.reshape(-1)
    out = _encode_kernel(total_tokens)(flat)
    return out.reshape(shape[:-2])

# --- scband reference (transcript-rebuilt; emitter-appended) ---
"""Pipeline reference for scband-objective-vap-16028817949187 (READ-ONLY COPY).

The authoritative reference and input builder live on the scoring server;
editing this copy changes nothing except your own understanding.
"""

import jax, jax.numpy as jnp
import numpy as np


def _make_codebook():
    # All 2^8 binary one-hot-per-bit code vectors, LSB-first,
    # matching Codebook.single_idx_to_onehot / create_code_vectors.
    idx = np.arange(256)
    bits = ((idx[:, None] >> np.arange(8)[None, :]) & 1).astype(np.float32)
    return jnp.asarray(bits)  # (256, 8)


def setup_inputs(seed: int = 0) -> dict:
    key = jax.random.key(seed)
    projection_windows = jax.random.uniform(key, (32, 4096, 2, 4), dtype=jnp.float32)
    emb_weight = _make_codebook()  # frozen embedding table (n_classes=256, total_bins=8)
    return {"projection_windows": projection_windows, "emb_weight": emb_weight}


def reference(projection_windows, emb_weight):
    # ObjectiveVAP.codebook.encode(projection_windows)
    shape = projection_windows.shape
    assert shape[-2:] == (2, 4)
    flatten = projection_windows.reshape(-1, shape[-2] * shape[-1])  # (B*N, 8)
    embed = emb_weight.T  # (8, 256)
    dist = -(
        jnp.sum(flatten ** 2, axis=1, keepdims=True)
        - 2.0 * (flatten @ embed)
        + jnp.sum(embed ** 2, axis=0, keepdims=True)
    )  # (B*N, 256)
    embed_ind = jnp.argmax(dist, axis=-1)
    return embed_ind.reshape(shape[:-2])  # (B, N) int indices

if __name__ == "__main__":
    import jax
    _d = setup_inputs()
    print(jax.jit(kernel)(*tuple(_d.values())))

</pallas_src>

<mosaic_0001>
#map = affine_map<(d0, d1) -> (0)>
module attributes {stable_mosaic.version = 14 : i64} {
  func.func @body(%arg0: i32, %arg1: i32, %arg2: memref<1048576xf32, #tpu.memory_space<hbm>>, %arg3: memref<131072xi32, #tpu.memory_space<hbm>>, %arg4: memref<32768xf32, #tpu.memory_space<vmem>>, %arg5: memref<4096xi32, #tpu.memory_space<vmem>>) attributes {dimension_semantics = [#tpu.dimension_semantics<core_parallel>, #tpu.dimension_semantics<subcore_parallel>], iteration_bounds = array<i64: 2, 16>, scalar_prefetch = 0 : i64, scratch_operands = 2 : i64, tpu.core_type = #tpu.core_type<sc_vector_subcore>, window_params = [{transform_indices = #map}, {transform_indices = #map}]} {
    %mul3A = arith.constant 2 : i32
    %mul3A_0 = arith.muli %arg1, %mul3A : i32
    %add3A = arith.addi %mul3A_0, %arg0 : i32
    %mul3A_1 = arith.constant 32768 : i32
    %mul3A_2 = arith.muli %add3A, %mul3A_1 : i32
    "tpu.region"() ({
      %run_scoped3A = tpu.sem_alloc : memref<!tpu.dma_semaphore, #tpu.memory_space<semaphore_mem>>
      %dma_start3A = tpu.memref_slice %arg2[%mul3A_2] : memref<1048576xf32, #tpu.memory_space<hbm>> -> memref<32768xf32, #tpu.memory_space<hbm>>
      %dma_start3A_121 = tpu.memref_slice %arg2[%mul3A_2] : memref<1048576xf32, #tpu.memory_space<hbm>> -> memref<32768xf32, #tpu.memory_space<hbm>>
      tpu.enqueue_dma source(%dma_start3A_121 : memref<32768xf32, #tpu.memory_space<hbm>>) target(%arg4 : memref<32768xf32, #tpu.memory_space<vmem>>) target_semaphore(%run_scoped3A : memref<!tpu.dma_semaphore, #tpu.memory_space<semaphore_mem>>)
      %dma_wait3A = tpu.memref_slice %arg2[%mul3A_2] : memref<1048576xf32, #tpu.memory_space<hbm>> -> memref<32768xf32, #tpu.memory_space<hbm>>
      %dma_wait3A_122 = tpu.memref_slice %arg2[%mul3A_2] : memref<1048576xf32, #tpu.memory_space<hbm>> -> memref<32768xf32, #tpu.memory_space<hbm>>
      tpu.wait_dma2 semaphore(%run_scoped3A : memref<!tpu.dma_semaphore, #tpu.memory_space<semaphore_mem>>) src(%dma_wait3A_122 : memref<32768xf32, #tpu.memory_space<hbm>>) dst(%arg4 : memref<32768xf32, #tpu.memory_space<vmem>>)
      tpu.yield
    }) : () -> ()
    %iota3A = tpu.iota {dimensions = array<i32: 0>} : vector<16xi32>
    %add3A_3 = arith.constant 0 : i32
    %add3A_4 = vector.broadcast %add3A_3 : i32 to vector<16xi32>
    %add3A_5 = arith.addi %iota3A, %add3A_4 : vector<16xi32>
    %and3A = arith.constant 7 : i32
    %and3A_6 = vector.broadcast %and3A : i32 to vector<16xi32>
    %and3A_7 = arith.andi %add3A_5, %and3A_6 : vector<16xi32>
    %mul3A_8 = arith.constant 8 : i32
    %mul3A_9 = vector.broadcast %mul3A_8 : i32 to vector<16xi32>
    %mul3A_10 = arith.muli %iota3A, %mul3A_9 : vector<16xi32>
    %add3A_11 = arith.addi %mul3A_10, %and3A_7 : vector<16xi32>
    %shift_left3A = arith.constant 1 : i32
    %shift_left3A_12 = vector.broadcast %shift_left3A : i32 to vector<16xi32>
    %shift_left3A_13 = arith.shli %shift_left3A_12, %and3A_7 : vector<16xi32>
    %add3A_14 = arith.constant 1 : i32
    %add3A_15 = vector.broadcast %add3A_14 : i32 to vector<16xi32>
    %add3A_16 = arith.addi %iota3A, %add3A_15 : vector<16xi32>
    %and3A_17 = arith.constant 7 : i32
    %and3A_18 = vector.broadcast %and3A_17 : i32 to vector<16xi32>
    %and3A_19 = arith.andi %add3A_16, %and3A_18 : vector<16xi32>
    %mul3A_20 = arith.constant 8 : i32
    %mul3A_21 = vector.broadcast %mul3A_20 : i32 to vector<16xi32>
    %mul3A_22 = arith.muli %iota3A, %mul3A_21 : vector<16xi32>
    %add3A_23 = arith.addi %mul3A_22, %and3A_19 : vector<16xi32>
    %shift_left3A_24 = arith.constant 1 : i32
    %shift_left3A_25 = vector.broadcast %shift_left3A_24 : i32 to vector<16xi32>
    %shift_left3A_26 = arith.shli %shift_left3A_25, %and3A_19 : vector<16xi32>
    %add3A_27 = arith.constant 2 : i32
    %add3A_28 = vector.broadcast %add3A_27 : i32 to vector<16xi32>
    %add3A_29 = arith.addi %iota3A, %add3A_28 : vector<16xi32>
    %and3A_30 = arith.constant 7 : i32
    %and3A_31 = vector.broadcast %and3A_30 : i32 to vector<16xi32>
    %and3A_32 = arith.andi %add3A_29, %and3A_31 : vector<16xi32>
    %mul3A_33 = arith.constant 8 : i32
    %mul3A_34 = vector.broadcast %mul3A_33 : i32 to vector<16xi32>
    %mul3A_35 = arith.muli %iota3A, %mul3A_34 : vector<16xi32>
    %add3A_36 = arith.addi %mul3A_35, %and3A_32 : vector<16xi32>
    %shift_left3A_37 = arith.constant 1 : i32
    %shift_left3A_38 = vector.broadcast %shift_left3A_37 : i32 to vector<16xi32>
    %shift_left3A_39 = arith.shli %shift_left3A_38, %and3A_32 : vector<16xi32>
    %add3A_40 = arith.constant 3 : i32
    %add3A_41 = vector.broadcast %add3A_40 : i32 to vector<16xi32>
    %add3A_42 = arith.addi %iota3A, %add3A_41 : vector<16xi32>
    %and3A_43 = arith.constant 7 : i32
    %and3A_44 = vector.broadcast %and3A_43 : i32 to vector<16xi32>
    %and3A_45 = arith.andi %add3A_42, %and3A_44 : vector<16xi32>
    %mul3A_46 = arith.constant 8 : i32
    %mul3A_47 = vector.broadcast %mul3A_46 : i32 to vector<16xi32>
    %mul3A_48 = arith.muli %iota3A, %mul3A_47 : vector<16xi32>
    %add3A_49 = arith.addi %mul3A_48, %and3A_45 : vector<16xi32>
    %shift_left3A_50 = arith.constant 1 : i32
    %shift_left3A_51 = vector.broadcast %shift_left3A_50 : i32 to vector<16xi32>
    %shift_left3A_52 = arith.shli %shift_left3A_51, %and3A_45 : vector<16xi32>
    %add3A_53 = arith.constant 4 : i32
    %add3A_54 = vector.broadcast %add3A_53 : i32 to vector<16xi32>
    %add3A_55 = arith.addi %iota3A, %add3A_54 : vector<16xi32>
    %and3A_56 = arith.constant 7 : i32
    %and3A_57 = vector.broadcast %and3A_56 : i32 to vector<16xi32>
    %and3A_58 = arith.andi %add3A_55, %and3A_57 : vector<16xi32>
    %mul3A_59 = arith.constant 8 : i32
    %mul3A_60 = vector.broadcast %mul3A_59 : i32 to vector<16xi32>
    %mul3A_61 = arith.muli %iota3A, %mul3A_60 : vector<16xi32>
    %add3A_62 = arith.addi %mul3A_61, %and3A_58 : vector<16xi32>
    %shift_left3A_63 = arith.constant 1 : i32
    %shift_left3A_64 = vector.broadcast %shift_left3A_63 : i32 to vector<16xi32>
    %shift_left3A_65 = arith.shli %shift_left3A_64, %and3A_58 : vector<16xi32>
    %add3A_66 = arith.constant 5 : i32
    %add3A_67 = vector.broadcast %add3A_66 : i32 to vector<16xi32>
    %add3A_68 = arith.addi %iota3A, %add3A_67 : vector<16xi32>
    %and3A_69 = arith.constant 7 : i32
    %and3A_70 = vector.broadcast %and3A_69 : i32 to vector<16xi32>
    %and3A_71 = arith.andi %add3A_68, %and3A_70 : vector<16xi32>
    %mul3A_72 = arith.constant 8 : i32
    %mul3A_73 = vector.broadcast %mul3A_72 : i32 to vector<16xi32>
    %mul3A_74 = arith.muli %iota3A, %mul3A_73 : vector<16xi32>
    %add3A_75 = arith.addi %mul3A_74, %and3A_71 : vector<16xi32>
    %shift_left3A_76 = arith.constant 1 : i32
    %shift_left3A_77 = vector.broadcast %shift_left3A_76 : i32 to vector<16xi32>
    %shift_left3A_78 = arith.shli %shift_left3A_77, %and3A_71 : vector<16xi32>
    %add3A_79 = arith.constant 6 : i32
    %add3A_80 = vector.broadcast %add3A_79 : i32 to vector<16xi32>
    %add3A_81 = arith.addi %iota3A, %add3A_80 : vector<16xi32>
    %and3A_82 = arith.constant 7 : i32
    %and3A_83 = vector.broadcast %and3A_82 : i32 to vector<16xi32>
    %and3A_84 = arith.andi %add3A_81, %and3A_83 : vector<16xi32>
    %mul3A_85 = arith.constant 8 : i32
    %mul3A_86 = vector.broadcast %mul3A_85 : i32 to vector<16xi32>
    %mul3A_87 = arith.muli %iota3A, %mul3A_86 : vector<16xi32>
    %add3A_88 = arith.addi %mul3A_87, %and3A_84 : vector<16xi32>
    %shift_left3A_89 = arith.constant 1 : i32
    %shift_left3A_90 = vector.broadcast %shift_left3A_89 : i32 to vector<16xi32>
    %shift_left3A_91 = arith.shli %shift_left3A_90, %and3A_84 : vector<16xi32>
    %add3A_92 = arith.constant 7 : i32
    %add3A_93 = vector.broadcast %add3A_92 : i32 to vector<16xi32>
    %add3A_94 = arith.addi %iota3A, %add3A_93 : vector<16xi32>
    %and3A_95 = arith.constant 7 : i32
    %and3A_96 = vector.broadcast %and3A_95 : i32 to vector<16xi32>
    %and3A_97 = arith.andi %add3A_94, %and3A_96 : vector<16xi32>
    %mul3A_98 = arith.constant 8 : i32
    %mul3A_99 = vector.broadcast %mul3A_98 : i32 to vector<16xi32>
    %mul3A_100 = arith.muli %iota3A, %mul3A_99 : vector<16xi32>
    %add3A_101 = arith.addi %mul3A_100, %and3A_97 : vector<16xi32>
    %shift_left3A_102 = arith.constant 1 : i32
    %shift_left3A_103 = vector.broadcast %shift_left3A_102 : i32 to vector<16xi32>
    %shift_left3A_104 = arith.shli %shift_left3A_103, %and3A_97 : vector<16xi32>
    %broadcast_in_dim3A = arith.constant 0 : i32
    %broadcast_in_dim3A_105 = vector.broadcast %broadcast_in_dim3A : i32 to vector<16xi32>
    %broadcast_in_dim3A_106 = arith.constant 0.000000e+00 : f32
    %broadcast_in_dim3A_107 = vector.broadcast %broadcast_in_dim3A_106 : f32 to vector<16xf32>
    %add3A_108 = arith.constant 1.000000e+00 : f32
    %add3A_109 = vector.broadcast %add3A_108 : f32 to vector<16xf32>
    %add3A_110 = arith.addf %broadcast_in_dim3A_107, %add3A_109 : vector<16xf32>
    %add3A_111 = arith.constant 5.000000e-01 : f32
    %add3A_112 = vector.broadcast %add3A_111 : f32 to vector<16xf32>
    %add3A_113 = arith.addf %broadcast_in_dim3A_107, %add3A_112 : vector<16xf32>
    %scan3A = arith.constant 0 : i32
    %scan3A_114 = arith.constant 0 : i32
    %scan3A_115 = arith.constant 256 : i32
    %scan3A_116 = arith.addi %scan3A_114, %scan3A_115 : i32
    %scan3A_117 = arith.constant 1 : i32
    scf.for %scan3A_121 = %scan3A_114 to %scan3A_116 step %scan3A_117  : i32 {
      %mul3A_122 = arith.constant 128 : i32
      %mul3A_123 = arith.muli %scan3A_121, %mul3A_122 : i32
      %add3A_124 = vector.broadcast %mul3A_123 : i32 to vector<16xi32>
      %add3A_125 = arith.addi %add3A_124, %add3A_11 : vector<16xi32>
      %gather3A = tpu.vector_load_idx %arg4[%add3A_125] : memref<32768xf32, #tpu.memory_space<vmem>>[vector<16xi32>], vector<16xf32>,
      %add3A_126 = vector.broadcast %mul3A_123 : i32 to vector<16xi32>
      %add3A_127 = arith.addi %add3A_126, %add3A_23 : vector<16xi32>
      %gather3A_128 = tpu.vector_load_idx %arg4[%add3A_127] : memref<32768xf32, #tpu.memory_space<vmem>>[vector<16xi32>], vector<16xf32>,
      %add3A_129 = vector.broadcast %mul3A_123 : i32 to vector<16xi32>
      %add3A_130 = arith.addi %add3A_129, %add3A_36 : vector<16xi32>
      %gather3A_131 = tpu.vector_load_idx %arg4[%add3A_130] : memref<32768xf32, #tpu.memory_space<vmem>>[vector<16xi32>], vector<16xf32>,
      %add3A_132 = vector.broadcast %mul3A_123 : i32 to vector<16xi32>
      %add3A_133 = arith.addi %add3A_132, %add3A_49 : vector<16xi32>
      %gather3A_134 = tpu.vector_load_idx %arg4[%add3A_133] : memref<32768xf32, #tpu.memory_space<vmem>>[vector<16xi32>], vector<16xf32>,
      %add3A_135 = vector.broadcast %mul3A_123 : i32 to vector<16xi32>
      %add3A_136 = arith.addi %add3A_135, %add3A_62 : vector<16xi32>
      %gather3A_137 = tpu.vector_load_idx %arg4[%add3A_136] : memref<32768xf32, #tpu.memory_space<vmem>>[vector<16xi32>], vector<16xf32>,
      %add3A_138 = vector.broadcast %mul3A_123 : i32 to vector<16xi32>
      %add3A_139 = arith.addi %add3A_138, %add3A_75 : vector<16xi32>
      %gather3A_140 = tpu.vector_load_idx %arg4[%add3A_139] : memref<32768xf32, #tpu.memory_space<vmem>>[vector<16xi32>], vector<16xf32>,
      %add3A_141 = vector.broadcast %mul3A_123 : i32 to vector<16xi32>
      %add3A_142 = arith.addi %add3A_141, %add3A_88 : vector<16xi32>
      %gather3A_143 = tpu.vector_load_idx %arg4[%add3A_142] : memref<32768xf32, #tpu.memory_space<vmem>>[vector<16xi32>], vector<16xf32>,
      %add3A_144 = vector.broadcast %mul3A_123 : i32 to vector<16xi32>
      %add3A_145 = arith.addi %add3A_144, %add3A_101 : vector<16xi32>
      %gather3A_146 = tpu.vector_load_idx %arg4[%add3A_145] : memref<32768xf32, #tpu.memory_space<vmem>>[vector<16xi32>], vector<16xf32>,
      %bitcast3A = vector.bitcast %gather3A : vector<16xf32> to vector<16xi32>
      %add3A_147 = arith.constant 32767 : i32
      %add3A_148 = vector.broadcast %add3A_147 : i32 to vector<16xi32>
      %add3A_149 = arith.addi %bitcast3A, %add3A_148 : vector<16xi32>
      %shift_right_arithmetic3A = arith.constant 16 : i32
      %shift_right_arithmetic3A_150 = vector.broadcast %shift_right_arithmetic3A : i32 to vector<16xi32>
      %shift_right_arithmetic3A_151 = arith.shrsi %bitcast3A, %shift_right_arithmetic3A_150 : vector<16xi32>
      %and3A_152 = arith.constant 1 : i32
      %and3A_153 = vector.broadcast %and3A_152 : i32 to vector<16xi32>
      %and3A_154 = arith.andi %shift_right_arithmetic3A_151, %and3A_153 : vector<16xi32>
      %add3A_155 = arith.addi %add3A_149, %and3A_154 : vector<16xi32>
      %and3A_156 = arith.constant -65536 : i32
      %and3A_157 = vector.broadcast %and3A_156 : i32 to vector<16xi32>
      %and3A_158 = arith.andi %add3A_155, %and3A_157 : vector<16xi32>
      %bitcast3A_159 = vector.bitcast %and3A_158 : vector<16xi32> to vector<16xf32>
      %bitcast3A_160 = vector.bitcast %gather3A_128 : vector<16xf32> to vector<16xi32>
      %add3A_161 = arith.constant 32767 : i32
      %add3A_162 = vector.broadcast %add3A_161 : i32 to vector<16xi32>
      %add3A_163 = arith.addi %bitcast3A_160, %add3A_162 : vector<16xi32>
      %shift_right_arithmetic3A_164 = arith.constant 16 : i32
      %shift_right_arithmetic3A_165 = vector.broadcast %shift_right_arithmetic3A_164 : i32 to vector<16xi32>
      %shift_right_arithmetic3A_166 = arith.shrsi %bitcast3A_160, %shift_right_arithmetic3A_165 : vector<16xi32>
      %and3A_167 = arith.constant 1 : i32
      %and3A_168 = vector.broadcast %and3A_167 : i32 to vector<16xi32>
      %and3A_169 = arith.andi %shift_right_arithmetic3A_166, %and3A_168 : vector<16xi32>
      %add3A_170 = arith.addi %add3A_163, %and3A_169 : vector<16xi32>
      %and3A_171 = arith.constant -65536 : i32
      %and3A_172 = vector.broadcast %and3A_171 : i32 to vector<16xi32>
      %and3A_173 = arith.andi %add3A_170, %and3A_172 : vector<16xi32>
      %bitcast3A_174 = vector.bitcast %and3A_173 : vector<16xi32> to vector<16xf32>
      %bitcast3A_175 = vector.bitcast %gather3A_131 : vector<16xf32> to vector<16xi32>
      %add3A_176 = arith.constant 32767 : i32
      %add3A_177 = vector.broadcast %add3A_176 : i32 to vector<16xi32>
      %add3A_178 = arith.addi %bitcast3A_175, %add3A_177 : vector<16xi32>
      %shift_right_arithmetic3A_179 = arith.constant 16 : i32
      %shift_right_arithmetic3A_180 = vector.broadcast %shift_right_arithmetic3A_179 : i32 to vector<16xi32>
      %shift_right_arithmetic3A_181 = arith.shrsi %bitcast3A_175, %shift_right_arithmetic3A_180 : vector<16xi32>
      %and3A_182 = arith.constant 1 : i32
      %and3A_183 = vector.broadcast %and3A_182 : i32 to vector<16xi32>
      %and3A_184 = arith.andi %shift_right_arithmetic3A_181, %and3A_183 : vector<16xi32>
      %add3A_185 = arith.addi %add3A_178, %and3A_184 : vector<16xi32>
      %and3A_186 = arith.constant -65536 : i32
      %and3A_187 = vector.broadcast %and3A_186 : i32 to vector<16xi32>
      %and3A_188 = arith.andi %add3A_185, %and3A_187 : vector<16xi32>
      %bitcast3A_189 = vector.bitcast %and3A_188 : vector<16xi32> to vector<16xf32>
      %bitcast3A_190 = vector.bitcast %gather3A_134 : vector<16xf32> to vector<16xi32>
      %add3A_191 = arith.constant 32767 : i32
      %add3A_192 = vector.broadcast %add3A_191 : i32 to vector<16xi32>
      %add3A_193 = arith.addi %bitcast3A_190, %add3A_192 : vector<16xi32>
      %shift_right_arithmetic3A_194 = arith.constant 16 : i32
      %shift_right_arithmetic3A_195 = vector.broadcast %shift_right_arithmetic3A_194 : i32 to vector<16xi32>
      %shift_right_arithmetic3A_196 = arith.shrsi %bitcast3A_190, %shift_right_arithmetic3A_195 : vector<16xi32>
      %and3A_197 = arith.constant 1 : i32
      %and3A_198 = vector.broadcast %and3A_197 : i32 to vector<16xi32>
      %and3A_199 = arith.andi %shift_right_arithmetic3A_196, %and3A_198 : vector<16xi32>
      %add3A_200 = arith.addi %add3A_193, %and3A_199 : vector<16xi32>
      %and3A_201 = arith.constant -65536 : i32
      %and3A_202 = vector.broadcast %and3A_201 : i32 to vector<16xi32>
      %and3A_203 = arith.andi %add3A_200, %and3A_202 : vector<16xi32>
      %bitcast3A_204 = vector.bitcast %and3A_203 : vector<16xi32> to vector<16xf32>
      %bitcast3A_205 = vector.bitcast %gather3A_137 : vector<16xf32> to vector<16xi32>
      %add3A_206 = arith.constant 32767 : i32
      %add3A_207 = vector.broadcast %add3A_206 : i32 to vector<16xi32>
      %add3A_208 = arith.addi %bitcast3A_205, %add3A_207 : vector<16xi32>
      %shift_right_arithmetic3A_209 = arith.constant 16 : i32
      %shift_right_arithmetic3A_210 = vector.broadcast %shift_right_arithmetic3A_209 : i32 to vector<16xi32>
      %shift_right_arithmetic3A_211 = arith.shrsi %bitcast3A_205, %shift_right_arithmetic3A_210 : vector<16xi32>
      %and3A_212 = arith.constant 1 : i32
      %and3A_213 = vector.broadcast %and3A_212 : i32 to vector<16xi32>
      %and3A_214 = arith.andi %shift_right_arithmetic3A_211, %and3A_213 : vector<16xi32>
      %add3A_215 = arith.addi %add3A_208, %and3A_214 : vector<16xi32>
      %and3A_216 = arith.constant -65536 : i32
      %and3A_217 = vector.broadcast %and3A_216 : i32 to vector<16xi32>
      %and3A_218 = arith.andi %add3A_215, %and3A_217 : vector<16xi32>
      %bitcast3A_219 = vector.bitcast %and3A_218 : vector<16xi32> to vector<16xf32>
      %bitcast3A_220 = vector.bitcast %gather3A_140 : vector<16xf32> to vector<16xi32>
      %add3A_221 = arith.constant 32767 : i32
      %add3A_222 = vector.broadcast %add3A_221 : i32 to vector<16xi32>
      %add3A_223 = arith.addi %bitcast3A_220, %add3A_222 : vector<16xi32>
      %shift_right_arithmetic3A_224 = arith.constant 16 : i32
      %shift_right_arithmetic3A_225 = vector.broadcast %shift_right_arithmetic3A_224 : i32 to vector<16xi32>
      %shift_right_arithmetic3A_226 = arith.shrsi %bitcast3A_220, %shift_right_arithmetic3A_225 : vector<16xi32>
      %and3A_227 = arith.constant 1 : i32
      %and3A_228 = vector.broadcast %and3A_227 : i32 to vector<16xi32>
      %and3A_229 = arith.andi %shift_right_arithmetic3A_226, %and3A_228 : vector<16xi32>
      %add3A_230 = arith.addi %add3A_223, %and3A_229 : vector<16xi32>
      %and3A_231 = arith.constant -65536 : i32
      %and3A_232 = vector.broadcast %and3A_231 : i32 to vector<16xi32>
      %and3A_233 = arith.andi %add3A_230, %and3A_232 : vector<16xi32>
      %bitcast3A_234 = vector.bitcast %and3A_233 : vector<16xi32> to vector<16xf32>
      %bitcast3A_235 = vector.bitcast %gather3A_143 : vector<16xf32> to vector<16xi32>
      %add3A_236 = arith.constant 32767 : i32
      %add3A_237 = vector.broadcast %add3A_236 : i32 to vector<16xi32>
      %add3A_238 = arith.addi %bitcast3A_235, %add3A_237 : vector<16xi32>
      %shift_right_arithmetic3A_239 = arith.constant 16 : i32
      %shift_right_arithmetic3A_240 = vector.broadcast %shift_right_arithmetic3A_239 : i32 to vector<16xi32>
      %shift_right_arithmetic3A_241 = arith.shrsi %bitcast3A_235, %shift_right_arithmetic3A_240 : vector<16xi32>
      %and3A_242 = arith.constant 1 : i32
      %and3A_243 = vector.broadcast %and3A_242 : i32 to vector<16xi32>
      %and3A_244 = arith.andi %shift_right_arithmetic3A_241, %and3A_243 : vector<16xi32>
      %add3A_245 = arith.addi %add3A_238, %and3A_244 : vector<16xi32>
      %and3A_246 = arith.constant -65536 : i32
      %and3A_247 = vector.broadcast %and3A_246 : i32 to vector<16xi32>
      %and3A_248 = arith.andi %add3A_245, %and3A_247 : vector<16xi32>
      %bitcast3A_249 = vector.bitcast %and3A_248 : vector<16xi32> to vector<16xf32>
      %bitcast3A_250 = vector.bitcast %gather3A_146 : vector<16xf32> to vector<16xi32>
      %add3A_251 = arith.constant 32767 : i32
      %add3A_252 = vector.broadcast %add3A_251 : i32 to vector<16xi32>
      %add3A_253 = arith.addi %bitcast3A_250, %add3A_252 : vector<16xi32>
      %shift_right_arithmetic3A_254 = arith.constant 16 : i32
      %shift_right_arithmetic3A_255 = vector.broadcast %shift_right_arithmetic3A_254 : i32 to vector<16xi32>
      %shift_right_arithmetic3A_256 = arith.shrsi %bitcast3A_250, %shift_right_arithmetic3A_255 : vector<16xi32>
      %and3A_257 = arith.constant 1 : i32
      %and3A_258 = vector.broadcast %and3A_257 : i32 to vector<16xi32>
      %and3A_259 = arith.andi %shift_right_arithmetic3A_256, %and3A_258 : vector<16xi32>
      %add3A_260 = arith.addi %add3A_253, %and3A_259 : vector<16xi32>
      %and3A_261 = arith.constant -65536 : i32
      %and3A_262 = vector.broadcast %and3A_261 : i32 to vector<16xi32>
      %and3A_263 = arith.andi %add3A_260, %and3A_262 : vector<16xi32>
      %bitcast3A_264 = vector.bitcast %and3A_263 : vector<16xi32> to vector<16xf32>
      %gt3A = arith.constant 5.000000e-01 : f32
      %gt3A_265 = vector.broadcast %gt3A : f32 to vector<16xf32>
      %gt3A_266 = arith.cmpf ogt, %bitcast3A_159, %gt3A_265 : vector<16xf32>
      %gt3A_267 = arith.constant 5.000000e-01 : f32
      %gt3A_268 = vector.broadcast %gt3A_267 : f32 to vector<16xf32>
      %gt3A_269 = arith.cmpf ogt, %bitcast3A_174, %gt3A_268 : vector<16xf32>
      %gt3A_270 = arith.constant 5.000000e-01 : f32
      %gt3A_271 = vector.broadcast %gt3A_270 : f32 to vector<16xf32>
      %gt3A_272 = arith.cmpf ogt, %bitcast3A_189, %gt3A_271 : vector<16xf32>
      %gt3A_273 = arith.constant 5.000000e-01 : f32
      %gt3A_274 = vector.broadcast %gt3A_273 : f32 to vector<16xf32>
      %gt3A_275 = arith.cmpf ogt, %bitcast3A_204, %gt3A_274 : vector<16xf32>
      %gt3A_276 = arith.constant 5.000000e-01 : f32
      %gt3A_277 = vector.broadcast %gt3A_276 : f32 to vector<16xf32>
      %gt3A_278 = arith.cmpf ogt, %bitcast3A_219, %gt3A_277 : vector<16xf32>
      %gt3A_279 = arith.constant 5.000000e-01 : f32
      %gt3A_280 = vector.broadcast %gt3A_279 : f32 to vector<16xf32>
      %gt3A_281 = arith.cmpf ogt, %bitcast3A_234, %gt3A_280 : vector<16xf32>
      %gt3A_282 = arith.constant 5.000000e-01 : f32
      %gt3A_283 = vector.broadcast %gt3A_282 : f32 to vector<16xf32>
      %gt3A_284 = arith.cmpf ogt, %bitcast3A_249, %gt3A_283 : vector<16xf32>
      %gt3A_285 = arith.constant 5.000000e-01 : f32
      %gt3A_286 = vector.broadcast %gt3A_285 : f32 to vector<16xf32>
      %gt3A_287 = arith.cmpf ogt, %bitcast3A_264, %gt3A_286 : vector<16xf32>
      %eq3A = arith.constant 5.000000e-01 : f32
      %eq3A_288 = vector.broadcast %eq3A : f32 to vector<16xf32>
      %eq3A_289 = arith.cmpf oeq, %bitcast3A_159, %eq3A_288 : vector<16xf32>
      %eq3A_290 = arith.constant 5.000000e-01 : f32
      %eq3A_291 = vector.broadcast %eq3A_290 : f32 to vector<16xf32>
      %eq3A_292 = arith.cmpf oeq, %bitcast3A_174, %eq3A_291 : vector<16xf32>
      %eq3A_293 = arith.constant 5.000000e-01 : f32
      %eq3A_294 = vector.broadcast %eq3A_293 : f32 to vector<16xf32>
      %eq3A_295 = arith.cmpf oeq, %bitcast3A_189, %eq3A_294 : vector<16xf32>
      %eq3A_296 = arith.constant 5.000000e-01 : f32
      %eq3A_297 = vector.broadcast %eq3A_296 : f32 to vector<16xf32>
      %eq3A_298 = arith.cmpf oeq, %bitcast3A_204, %eq3A_297 : vector<16xf32>
      %eq3A_299 = arith.constant 5.000000e-01 : f32
      %eq3A_300 = vector.broadcast %eq3A_299 : f32 to vector<16xf32>
      %eq3A_301 = arith.cmpf oeq, %bitcast3A_219, %eq3A_300 : vector<16xf32>
      %eq3A_302 = arith.constant 5.000000e-01 : f32
      %eq3A_303 = vector.broadcast %eq3A_302 : f32 to vector<16xf32>
      %eq3A_304 = arith.cmpf oeq, %bitcast3A_234, %eq3A_303 : vector<16xf32>
      %eq3A_305 = arith.constant 5.000000e-01 : f32
      %eq3A_306 = vector.broadcast %eq3A_305 : f32 to vector<16xf32>
      %eq3A_307 = arith.cmpf oeq, %bitcast3A_249, %eq3A_306 : vector<16xf32>
      %eq3A_308 = arith.constant 5.000000e-01 : f32
      %eq3A_309 = vector.broadcast %eq3A_308 : f32 to vector<16xf32>
      %eq3A_310 = arith.cmpf oeq, %bitcast3A_264, %eq3A_309 : vector<16xf32>
      %select_n3A = arith.select %gt3A_266, %shift_left3A_13, %broadcast_in_dim3A_105 : vector<16xi1>, vector<16xi32>
      %add3A_311 = arith.addi %broadcast_in_dim3A_105, %select_n3A : vector<16xi32>
      %select_n3A_312 = arith.select %gt3A_266, %bitcast3A_159, %broadcast_in_dim3A_107 : vector<16xi1>, vector<16xf32>
      %add3A_313 = arith.addf %broadcast_in_dim3A_107, %select_n3A_312 : vector<16xf32>
      %select_n3A_314 = arith.select %gt3A_266, %add3A_110, %broadcast_in_dim3A_107 : vector<16xi1>, vector<16xf32>
      %add3A_315 = arith.addf %broadcast_in_dim3A_107, %select_n3A_314 : vector<16xf32>
      %select_n3A_316 = arith.select %gt3A_269, %shift_left3A_26, %broadcast_in_dim3A_105 : vector<16xi1>, vector<16xi32>
      %add3A_317 = arith.addi %add3A_311, %select_n3A_316 : vector<16xi32>
      %select_n3A_318 = arith.select %gt3A_269, %bitcast3A_174, %broadcast_in_dim3A_107 : vector<16xi1>, vector<16xf32>
      %add3A_319 = arith.addf %add3A_313, %select_n3A_318 : vector<16xf32>
      %select_n3A_320 = arith.select %gt3A_269, %add3A_110, %broadcast_in_dim3A_107 : vector<16xi1>, vector<16xf32>
      %add3A_321 = arith.addf %add3A_315, %select_n3A_320 : vector<16xf32>
      %select_n3A_322 = arith.select %gt3A_272, %shift_left3A_39, %broadcast_in_dim3A_105 : vector<16xi1>, vector<16xi32>
      %add3A_323 = arith.addi %add3A_317, %select_n3A_322 : vector<16xi32>
      %select_n3A_324 = arith.select %gt3A_272, %bitcast3A_189, %broadcast_in_dim3A_107 : vector<16xi1>, vector<16xf32>
      %add3A_325 = arith.addf %add3A_319, %select_n3A_324 : vector<16xf32>
      %select_n3A_326 = arith.select %gt3A_272, %add3A_110, %broadcast_in_dim3A_107 : vector<16xi1>, vector<16xf32>
      %add3A_327 = arith.addf %add3A_321, %select_n3A_326 : vector<16xf32>
      %select_n3A_328 = arith.select %gt3A_275, %shift_left3A_52, %broadcast_in_dim3A_105 : vector<16xi1>, vector<16xi32>
      %add3A_329 = arith.addi %add3A_323, %select_n3A_328 : vector<16xi32>
      %select_n3A_330 = arith.select %gt3A_275, %bitcast3A_204, %broadcast_in_dim3A_107 : vector<16xi1>, vector<16xf32>
      %add3A_331 = arith.addf %add3A_325, %select_n3A_330 : vector<16xf32>
      %select_n3A_332 = arith.select %gt3A_275, %add3A_110, %broadcast_in_dim3A_107 : vector<16xi1>, vector<16xf32>
      %add3A_333 = arith.addf %add3A_327, %select_n3A_332 : vector<16xf32>
      %select_n3A_334 = arith.select %gt3A_278, %shift_left3A_65, %broadcast_in_dim3A_105 : vector<16xi1>, vector<16xi32>
      %add3A_335 = arith.addi %add3A_329, %select_n3A_334 : vector<16xi32>
      %select_n3A_336 = arith.select %gt3A_278, %bitcast3A_219, %broadcast_in_dim3A_107 : vector<16xi1>, vector<16xf32>
      %add3A_337 = arith.addf %add3A_331, %select_n3A_336 : vector<16xf32>
      %select_n3A_338 = arith.select %gt3A_278, %add3A_110, %broadcast_in_dim3A_107 : vector<16xi1>, vector<16xf32>
      %add3A_339 = arith.addf %add3A_333, %select_n3A_338 : vector<16xf32>
      %select_n3A_340 = arith.select %gt3A_281, %shift_left3A_78, %broadcast_in_dim3A_105 : vector<16xi1>, vector<16xi32>
      %add3A_341 = arith.addi %add3A_335, %select_n3A_340 : vector<16xi32>
      %select_n3A_342 = arith.select %gt3A_281, %bitcast3A_234, %broadcast_in_dim3A_107 : vector<16xi1>, vector<16xf32>
      %add3A_343 = arith.addf %add3A_337, %select_n3A_342 : vector<16xf32>
      %select_n3A_344 = arith.select %gt3A_281, %add3A_110, %broadcast_in_dim3A_107 : vector<16xi1>, vector<16xf32>
      %add3A_345 = arith.addf %add3A_339, %select_n3A_344 : vector<16xf32>
      %select_n3A_346 = arith.select %gt3A_284, %shift_left3A_91, %broadcast_in_dim3A_105 : vector<16xi1>, vector<16xi32>
      %add3A_347 = arith.addi %add3A_341, %select_n3A_346 : vector<16xi32>
      %select_n3A_348 = arith.select %gt3A_284, %bitcast3A_249, %broadcast_in_dim3A_107 : vector<16xi1>, vector<16xf32>
      %add3A_349 = arith.addf %add3A_343, %select_n3A_348 : vector<16xf32>
      %select_n3A_350 = arith.select %gt3A_284, %add3A_110, %broadcast_in_dim3A_107 : vector<16xi1>, vector<16xf32>
      %add3A_351 = arith.addf %add3A_345, %select_n3A_350 : vector<16xf32>
      %select_n3A_352 = arith.select %gt3A_287, %shift_left3A_104, %broadcast_in_dim3A_105 : vector<16xi1>, vector<16xi32>
      %add3A_353 = arith.addi %add3A_347, %select_n3A_352 : vector<16xi32>
      %select_n3A_354 = arith.select %gt3A_287, %bitcast3A_264, %broadcast_in_dim3A_107 : vector<16xi1>, vector<16xf32>
      %add3A_355 = arith.addf %add3A_349, %select_n3A_354 : vector<16xf32>
      %select_n3A_356 = arith.select %gt3A_287, %add3A_110, %broadcast_in_dim3A_107 : vector<16xi1>, vector<16xf32>
      %add3A_357 = arith.addf %add3A_351, %select_n3A_356 : vector<16xf32>
      %mul3A_358 = arith.mulf %gather3A, %gather3A : vector<16xf32>
      %mul3A_359 = arith.mulf %gather3A_128, %gather3A_128 : vector<16xf32>
      %mul3A_360 = arith.mulf %gather3A_131, %gather3A_131 : vector<16xf32>
      %mul3A_361 = arith.mulf %gather3A_134, %gather3A_134 : vector<16xf32>
      %mul3A_362 = arith.mulf %gather3A_137, %gather3A_137 : vector<16xf32>
      %mul3A_363 = arith.mulf %gather3A_140, %gather3A_140 : vector<16xf32>
      %mul3A_364 = arith.mulf %gather3A_143, %gather3A_143 : vector<16xf32>
      %mul3A_365 = arith.mulf %gather3A_146, %gather3A_146 : vector<16xf32>
      %add3A_366 = arith.addf %mul3A_358, %mul3A_362 : vector<16xf32>
      %add3A_367 = arith.addf %mul3A_359, %mul3A_363 : vector<16xf32>
      %add3A_368 = arith.addf %mul3A_360, %mul3A_364 : vector<16xf32>
      %add3A_369 = arith.addf %mul3A_361, %mul3A_365 : vector<16xf32>
      %add3A_370 = arith.addf %add3A_366, %add3A_368 : vector<16xf32>
      %add3A_371 = arith.addf %add3A_367, %add3A_369 : vector<16xf32>
      %add3A_372 = arith.addf %add3A_370, %add3A_371 : vector<16xf32>
      %mul3A_373 = arith.constant 2.000000e+00 : f32
      %mul3A_374 = vector.broadcast %mul3A_373 : f32 to vector<16xf32>
      %mul3A_375 = arith.mulf %mul3A_374, %add3A_355 : vector<16xf32>
      %sub3A = arith.subf %add3A_372, %mul3A_375 : vector<16xf32>
      %add3A_376 = arith.addf %sub3A, %add3A_357 : vector<16xf32>
      %add3A_377 = arith.constant 1.000000e+00 : f32
      %add3A_378 = vector.broadcast %add3A_377 : f32 to vector<16xf32>
      %add3A_379 = arith.addf %mul3A_375, %add3A_378 : vector<16xf32>
      %sub3A_380 = arith.subf %add3A_372, %add3A_379 : vector<16xf32>
      %add3A_381 = arith.constant 1.000000e+00 : f32
      %add3A_382 = vector.broadcast %add3A_381 : f32 to vector<16xf32>
      %add3A_383 = arith.addf %add3A_357, %add3A_382 : vector<16xf32>
      %add3A_384 = arith.addf %sub3A_380, %add3A_383 : vector<16xf32>
      %lt3A = arith.cmpf olt, %add3A_384, %add3A_376 : vector<16xf32>
      %and3A_385 = arith.andi %eq3A_289, %lt3A : vector<16xi1>
      %select_n3A_386 = arith.select %and3A_385, %shift_left3A_13, %broadcast_in_dim3A_105 : vector<16xi1>, vector<16xi32>
      %add3A_387 = arith.addi %add3A_353, %select_n3A_386 : vector<16xi32>
      %select_n3A_388 = arith.select %and3A_385, %add3A_113, %broadcast_in_dim3A_107 : vector<16xi1>, vector<16xf32>
      %add3A_389 = arith.addf %add3A_355, %select_n3A_388 : vector<16xf32>
      %select_n3A_390 = arith.select %and3A_385, %add3A_110, %broadcast_in_dim3A_107 : vector<16xi1>, vector<16xf32>
      %add3A_391 = arith.addf %add3A_357, %select_n3A_390 : vector<16xf32>
      %mul3A_392 = arith.constant 2.000000e+00 : f32
      %mul3A_393 = vector.broadcast %mul3A_392 : f32 to vector<16xf32>
      %mul3A_394 = arith.mulf %mul3A_393, %add3A_389 : vector<16xf32>
      %sub3A_395 = arith.subf %add3A_372, %mul3A_394 : vector<16xf32>
      %add3A_396 = arith.addf %sub3A_395, %add3A_391 : vector<16xf32>
      %add3A_397 = arith.constant 1.000000e+00 : f32
      %add3A_398 = vector.broadcast %add3A_397 : f32 to vector<16xf32>
      %add3A_399 = arith.addf %mul3A_394, %add3A_398 : vector<16xf32>
      %sub3A_400 = arith.subf %add3A_372, %add3A_399 : vector<16xf32>
      %add3A_401 = arith.constant 1.000000e+00 : f32
      %add3A_402 = vector.broadcast %add3A_401 : f32 to vector<16xf32>
      %add3A_403 = arith.addf %add3A_391, %add3A_402 : vector<16xf32>
      %add3A_404 = arith.addf %sub3A_400, %add3A_403 : vector<16xf32>
      %lt3A_405 = arith.cmpf olt, %add3A_404, %add3A_396 : vector<16xf32>
      %and3A_406 = arith.andi %eq3A_292, %lt3A_405 : vector<16xi1>
      %select_n3A_407 = arith.select %and3A_406, %shift_left3A_26, %broadcast_in_dim3A_105 : vector<16xi1>, vector<16xi32>
      %add3A_408 = arith.addi %add3A_387, %select_n3A_407 : vector<16xi32>
      %select_n3A_409 = arith.select %and3A_406, %add3A_113, %broadcast_in_dim3A_107 : vector<16xi1>, vector<16xf32>
      %add3A_410 = arith.addf %add3A_389, %select_n3A_409 : vector<16xf32>
      %select_n3A_411 = arith.select %and3A_406, %add3A_110, %broadcast_in_dim3A_107 : vector<16xi1>, vector<16xf32>
      %add3A_412 = arith.addf %add3A_391, %select_n3A_411 : vector<16xf32>
      %mul3A_413 = arith.constant 2.000000e+00 : f32
      %mul3A_414 = vector.broadcast %mul3A_413 : f32 to vector<16xf32>
      %mul3A_415 = arith.mulf %mul3A_414, %add3A_410 : vector<16xf32>
      %sub3A_416 = arith.subf %add3A_372, %mul3A_415 : vector<16xf32>
      %add3A_417 = arith.addf %sub3A_416, %add3A_412 : vector<16xf32>
      %add3A_418 = arith.constant 1.000000e+00 : f32
      %add3A_419 = vector.broadcast %add3A_418 : f32 to vector<16xf32>
      %add3A_420 = arith.addf %mul3A_415, %add3A_419 : vector<16xf32>
      %sub3A_421 = arith.subf %add3A_372, %add3A_420 : vector<16xf32>
      %add3A_422 = arith.constant 1.000000e+00 : f32
      %add3A_423 = vector.broadcast %add3A_422 : f32 to vector<16xf32>
      %add3A_424 = arith.addf %add3A_412, %add3A_423 : vector<16xf32>
      %add3A_425 = arith.addf %sub3A_421, %add3A_424 : vector<16xf32>
      %lt3A_426 = arith.cmpf olt, %add3A_425, %add3A_417 : vector<16xf32>
      %and3A_427 = arith.andi %eq3A_295, %lt3A_426 : vector<16xi1>
      %select_n3A_428 = arith.select %and3A_427, %shift_left3A_39, %broadcast_in_dim3A_105 : vector<16xi1>, vector<16xi32>
      %add3A_429 = arith.addi %add3A_408, %select_n3A_428 : vector<16xi32>
      %select_n3A_430 = arith.select %and3A_427, %add3A_113, %broadcast_in_dim3A_107 : vector<16xi1>, vector<16xf32>
      %add3A_431 = arith.addf %add3A_410, %select_n3A_430 : vector<16xf32>
      %select_n3A_432 = arith.select %and3A_427, %add3A_110, %broadcast_in_dim3A_107 : vector<16xi1>, vector<16xf32>
      %add3A_433 = arith.addf %add3A_412, %select_n3A_432 : vector<16xf32>
      %mul3A_434 = arith.constant 2.000000e+00 : f32
      %mul3A_435 = vector.broadcast %mul3A_434 : f32 to vector<16xf32>
      %mul3A_436 = arith.mulf %mul3A_435, %add3A_431 : vector<16xf32>
      %sub3A_437 = arith.subf %add3A_372, %mul3A_436 : vector<16xf32>
      %add3A_438 = arith.addf %sub3A_437, %add3A_433 : vector<16xf32>
      %add3A_439 = arith.constant 1.000000e+00 : f32
      %add3A_440 = vector.broadcast %add3A_439 : f32 to vector<16xf32>
      %add3A_441 = arith.addf %mul3A_436, %add3A_440 : vector<16xf32>
      %sub3A_442 = arith.subf %add3A_372, %add3A_441 : vector<16xf32>
      %add3A_443 = arith.constant 1.000000e+00 : f32
      %add3A_444 = vector.broadcast %add3A_443 : f32 to vector<16xf32>
      %add3A_445 = arith.addf %add3A_433, %add3A_444 : vector<16xf32>
      %add3A_446 = arith.addf %sub3A_442, %add3A_445 : vector<16xf32>
      %lt3A_447 = arith.cmpf olt, %add3A_446, %add3A_438 : vector<16xf32>
      %and3A_448 = arith.andi %eq3A_298, %lt3A_447 : vector<16xi1>
      %select_n3A_449 = arith.select %and3A_448, %shift_left3A_52, %broadcast_in_dim3A_105 : vector<16xi1>, vector<16xi32>
      %add3A_450 = arith.addi %add3A_429, %select_n3A_449 : vector<16xi32>
      %select_n3A_451 = arith.select %and3A_448, %add3A_113, %broadcast_in_dim3A_107 : vector<16xi1>, vector<16xf32>
      %add3A_452 = arith.addf %add3A_431, %select_n3A_451 : vector<16xf32>
      %select_n3A_453 = arith.select %and3A_448, %add3A_110, %broadcast_in_dim3A_107 : vector<16xi1>, vector<16xf32>
      %add3A_454 = arith.addf %add3A_433, %select_n3A_453 : vector<16xf32>
      %mul3A_455 = arith.constant 2.000000e+00 : f32
      %mul3A_456 = vector.broadcast %mul3A_455 : f32 to vector<16xf32>
      %mul3A_457 = arith.mulf %mul3A_456, %add3A_452 : vector<16xf32>
      %sub3A_458 = arith.subf %add3A_372, %mul3A_457 : vector<16xf32>
      %add3A_459 = arith.addf %sub3A_458, %add3A_454 : vector<16xf32>
      %add3A_460 = arith.constant 1.000000e+00 : f32
      %add3A_461 = vector.broadcast %add3A_460 : f32 to vector<16xf32>
      %add3A_462 = arith.addf %mul3A_457, %add3A_461 : vector<16xf32>
      %sub3A_463 = arith.subf %add3A_372, %add3A_462 : vector<16xf32>
      %add3A_464 = arith.constant 1.000000e+00 : f32
      %add3A_465 = vector.broadcast %add3A_464 : f32 to vector<16xf32>
      %add3A_466 = arith.addf %add3A_454, %add3A_465 : vector<16xf32>
      %add3A_467 = arith.addf %sub3A_463, %add3A_466 : vector<16xf32>
      %lt3A_468 = arith.cmpf olt, %add3A_467, %add3A_459 : vector<16xf32>
      %and3A_469 = arith.andi %eq3A_301, %lt3A_468 : vector<16xi1>
      %select_n3A_470 = arith.select %and3A_469, %shift_left3A_65, %broadcast_in_dim3A_105 : vector<16xi1>, vector<16xi32>
      %add3A_471 = arith.addi %add3A_450, %select_n3A_470 : vector<16xi32>
      %select_n3A_472 = arith.select %and3A_469, %add3A_113, %broadcast_in_dim3A_107 : vector<16xi1>, vector<16xf32>
      %add3A_473 = arith.addf %add3A_452, %select_n3A_472 : vector<16xf32>
      %select_n3A_474 = arith.select %and3A_469, %add3A_110, %broadcast_in_dim3A_107 : vector<16xi1>, vector<16xf32>
      %add3A_475 = arith.addf %add3A_454, %select_n3A_474 : vector<16xf32>
      %mul3A_476 = arith.constant 2.000000e+00 : f32
      %mul3A_477 = vector.broadcast %mul3A_476 : f32 to vector<16xf32>
      %mul3A_478 = arith.mulf %mul3A_477, %add3A_473 : vector<16xf32>
      %sub3A_479 = arith.subf %add3A_372, %mul3A_478 : vector<16xf32>
      %add3A_480 = arith.addf %sub3A_479, %add3A_475 : vector<16xf32>
      %add3A_481 = arith.constant 1.000000e+00 : f32
      %add3A_482 = vector.broadcast %add3A_481 : f32 to vector<16xf32>
      %add3A_483 = arith.addf %mul3A_478, %add3A_482 : vector<16xf32>
      %sub3A_484 = arith.subf %add3A_372, %add3A_483 : vector<16xf32>
      %add3A_485 = arith.constant 1.000000e+00 : f32
      %add3A_486 = vector.broadcast %add3A_485 : f32 to vector<16xf32>
      %add3A_487 = arith.addf %add3A_475, %add3A_486 : vector<16xf32>
      %add3A_488 = arith.addf %sub3A_484, %add3A_487 : vector<16xf32>
      %lt3A_489 = arith.cmpf olt, %add3A_488, %add3A_480 : vector<16xf32>
      %and3A_490 = arith.andi %eq3A_304, %lt3A_489 : vector<16xi1>
      %select_n3A_491 = arith.select %and3A_490, %shift_left3A_78, %broadcast_in_dim3A_105 : vector<16xi1>, vector<16xi32>
      %add3A_492 = arith.addi %add3A_471, %select_n3A_491 : vector<16xi32>
      %select_n3A_493 = arith.select %and3A_490, %add3A_113, %broadcast_in_dim3A_107 : vector<16xi1>, vector<16xf32>
      %add3A_494 = arith.addf %add3A_473, %select_n3A_493 : vector<16xf32>
      %select_n3A_495 = arith.select %and3A_490, %add3A_110, %broadcast_in_dim3A_107 : vector<16xi1>, vector<16xf32>
      %add3A_496 = arith.addf %add3A_475, %select_n3A_495 : vector<16xf32>
      %mul3A_497 = arith.constant 2.000000e+00 : f32
      %mul3A_498 = vector.broadcast %mul3A_497 : f32 to vector<16xf32>
      %mul3A_499 = arith.mulf %mul3A_498, %add3A_494 : vector<16xf32>
      %sub3A_500 = arith.subf %add3A_372, %mul3A_499 : vector<16xf32>
      %add3A_501 = arith.addf %sub3A_500, %add3A_496 : vector<16xf32>
      %add3A_502 = arith.constant 1.000000e+00 : f32
      %add3A_503 = vector.broadcast %add3A_502 : f32 to vector<16xf32>
      %add3A_504 = arith.addf %mul3A_499, %add3A_503 : vector<16xf32>
      %sub3A_505 = arith.subf %add3A_372, %add3A_504 : vector<16xf32>
      %add3A_506 = arith.constant 1.000000e+00 : f32
      %add3A_507 = vector.broadcast %add3A_506 : f32 to vector<16xf32>
      %add3A_508 = arith.addf %add3A_496, %add3A_507 : vector<16xf32>
      %add3A_509 = arith.addf %sub3A_505, %add3A_508 : vector<16xf32>
      %lt3A_510 = arith.cmpf olt, %add3A_509, %add3A_501 : vector<16xf32>
      %and3A_511 = arith.andi %eq3A_307, %lt3A_510 : vector<16xi1>
      %select_n3A_512 = arith.select %and3A_511, %shift_left3A_91, %broadcast_in_dim3A_105 : vector<16xi1>, vector<16xi32>
      %add3A_513 = arith.addi %add3A_492, %select_n3A_512 : vector<16xi32>
      %select_n3A_514 = arith.select %and3A_511, %add3A_113, %broadcast_in_dim3A_107 : vector<16xi1>, vector<16xf32>
      %add3A_515 = arith.addf %add3A_494, %select_n3A_514 : vector<16xf32>
      %select_n3A_516 = arith.select %and3A_511, %add3A_110, %broadcast_in_dim3A_107 : vector<16xi1>, vector<16xf32>
      %add3A_517 = arith.addf %add3A_496, %select_n3A_516 : vector<16xf32>
      %mul3A_518 = arith.constant 2.000000e+00 : f32
      %mul3A_519 = vector.broadcast %mul3A_518 : f32 to vector<16xf32>
      %mul3A_520 = arith.mulf %mul3A_519, %add3A_515 : vector<16xf32>
      %sub3A_521 = arith.subf %add3A_372, %mul3A_520 : vector<16xf32>
      %add3A_522 = arith.addf %sub3A_521, %add3A_517 : vector<16xf32>
      %add3A_523 = arith.constant 1.000000e+00 : f32
      %add3A_524 = vector.broadcast %add3A_523 : f32 to vector<16xf32>
      %add3A_525 = arith.addf %mul3A_520, %add3A_524 : vector<16xf32>
      %sub3A_526 = arith.subf %add3A_372, %add3A_525 : vector<16xf32>
      %add3A_527 = arith.constant 1.000000e+00 : f32
      %add3A_528 = vector.broadcast %add3A_527 : f32 to vector<16xf32>
      %add3A_529 = arith.addf %add3A_517, %add3A_528 : vector<16xf32>
      %add3A_530 = arith.addf %sub3A_526, %add3A_529 : vector<16xf32>
      %lt3A_531 = arith.cmpf olt, %add3A_530, %add3A_522 : vector<16xf32>
      %and3A_532 = arith.andi %eq3A_310, %lt3A_531 : vector<16xi1>
      %select_n3A_533 = arith.select %and3A_532, %shift_left3A_104, %broadcast_in_dim3A_105 : vector<16xi1>, vector<16xi32>
      %add3A_534 = arith.addi %add3A_513, %select_n3A_533 : vector<16xi32>
      %select_n3A_535 = arith.select %and3A_532, %add3A_113, %broadcast_in_dim3A_107 : vector<16xi1>, vector<16xf32>
      %add3A_536 = arith.addf %add3A_515, %select_n3A_535 : vector<16xf32>
      %select_n3A_537 = arith.select %and3A_532, %add3A_110, %broadcast_in_dim3A_107 : vector<16xi1>, vector<16xf32>
      %add3A_538 = arith.addf %add3A_517, %select_n3A_537 : vector<16xf32>
      %mul3A_539 = arith.constant 16 : i32
      %mul3A_540 = arith.muli %scan3A_121, %mul3A_539 : i32
      %swap3A = arith.index_cast %mul3A_540 : i32 to index
      %swap3A_541 = tpu.vector_load %arg5[%swap3A] {strides = array<i32>} : memref<4096xi32, #tpu.memory_space<vmem>>, vector<16xi32>,
      tpu.vector_store %arg5[%swap3A], %add3A_534 {strides = array<i32>} : memref<4096xi32, #tpu.memory_space<vmem>>, vector<16xi32>,
    }
    %scan3A_118 = arith.constant 256 : i32
    %mul3A_119 = arith.constant 4096 : i32
    %mul3A_120 = arith.muli %add3A, %mul3A_119 : i32
    "tpu.region"() ({
      %run_scoped3A = tpu.sem_alloc : memref<!tpu.dma_semaphore, #tpu.memory_space<semaphore_mem>>
      %dma_start3A = tpu.memref_slice %arg3[%mul3A_120] : memref<131072xi32, #tpu.memory_space<hbm>> -> memref<4096xi32, #tpu.memory_space<hbm>>
      %dma_start3A_121 = tpu.memref_slice %arg3[%mul3A_120] : memref<131072xi32, #tpu.memory_space<hbm>> -> memref<4096xi32, #tpu.memory_space<hbm>>
      tpu.enqueue_dma source(%arg5 : memref<4096xi32, #tpu.memory_space<vmem>>) target(%dma_start3A_121 : memref<4096xi32, #tpu.memory_space<hbm>>) target_semaphore(%run_scoped3A : memref<!tpu.dma_semaphore, #tpu.memory_space<semaphore_mem>>)
      %dma_wait3A = tpu.memref_slice %arg3[%mul3A_120] : memref<131072xi32, #tpu.memory_space<hbm>> -> memref<4096xi32, #tpu.memory_space<hbm>>
      %dma_wait3A_122 = tpu.memref_slice %arg3[%mul3A_120] : memref<131072xi32, #tpu.memory_space<hbm>> -> memref<4096xi32, #tpu.memory_space<hbm>>
      tpu.wait_dma2 semaphore(%run_scoped3A : memref<!tpu.dma_semaphore, #tpu.memory_space<semaphore_mem>>) src(%arg5 : memref<4096xi32, #tpu.memory_space<vmem>>) dst(%dma_wait3A_122 : memref<4096xi32, #tpu.memory_space<hbm>>)
      tpu.yield
    }) : () -> ()
    return
  }
}

</mosaic_0001>

<sc_bundles>
// kernel: kernel.3.cloned.1.call-start
scs
__scs_entry_jumppad:
0x0: {  	(pc) =	sbr.rel $0x88, $3  }
0x1: {  	(tag) =	ssettag $0x0;
	lr =	simm.s32 $0x1  }
0x2: {  	[smem:$0x3FA0] =	sst lr;
	_ =	strace $0xD0000000  }
0x3: {  	_ = 	snop  }
0x4: {  	_ = 	snop  }
0x5: {  	_ = 	snop  }
0x6: {  	_ = 	snop  }
0x7: {  	_ = 	snop  }
__scs_overlays_trampoline_lowered:
0x8: {  	[smem:$0x3FAF] =	sst s0  }
0x9: {  	[smem:$0x3FB0] =	sst s1  }
0xa: {  	[smem:$0x3FB1] =	sst s2  }
0xb: {  	[smem:$0x3FB2] =	sst s3  }
0xc: {  	[smem:$0x3FB3] =	sst s4  }
0xd: {  	[smem:$0x3FB4] =	sst s5  }
0xe: {  	[smem:$0x3FB5] =	sst s6  }
0xf: {  	[smem:$0x3FB6] =	sst s7  }
0x10: {  	[smem:$0x3FB7] =	sst s8  }
0x11: {  	[smem:$0x3FB8] =	sst s9;
	s0 =	simm.s32 @!p0 $0x0  }
0x12: {  	s1 =	sld [smem:$0x3F9E];
	s0 =	simm.s32 @p0 $0x1  }
0x13: {  	[smem:$0x3FB9] =	sst s0;
	s0 =	simm.s32 @!p1 $0x0  }
0x14: {  	s2 =	sld [smem:$0x3F9D];
	s0 =	simm.s32 @p1 $0x1  }
0x15: {  	[smem:$0x3FBA] =	sst s0;
	s0 =	simm.s32 @!p2 $0x0  }
0x16: {  	s3 =	sld [smem:$0x3FDB];
	s0 =	simm.s32 @p2 $0x1  }
0x17: {  	s4 =	simm.s32 $0x1BF5;
	[smem:$0x3FBC] =	sst s0  }
0x18: {  	s0 =	sld [smem:$0x3F9F];
	_ =	swait.ge [sflag:s4], $0x0  }
0x19: {  	s7 =	sld [smem:$0x3FA0]  }
0x1a: {  	s8 =	sadd.s32 $0xFFFFE003, lr  }
0x1b: {  	s9 =	sadd.s32 $0xFFFFFEF7, lr;
	s5 =	simm.s32 $0xFFFFFFFF;
	p2 =	slt.u32 s8, $0xFFFFF086  }
0x1c: {  	p1 =	slt.u32 s9, $0xF7A;
	s5 =	simm.s32 @!p2 $0x0  }
0x1d: {  	s5 =	simm.s32 @p1 $0x1;
	p0 =	seq.s32 s7, s2  }
0x1e: {  	s7 =	smul.u32 @!p0 $0xF7A, s2;
	p2 =	seq.s32 @!p0 s5, $0x0  }
0x1f: {  	s9 =	smul.u32 $0xF7A, s1;
	s8 =	simm.s32 @!p0 $0x1BF5;
	p2 =	por !p2, p0  }
0x20: {  	[sflag:s8] =	ssyncset.s32 @!p0 $0xFFFFF086;
	s6 =	sadd.s32 @!p0 s3, s7;
	s7 =	simm.s32 @!p0 $0x108  }
0x21: {  	s3 =	sadd.s32 s3, s9;
	s6 =	sadd.s32 @!p0 $0x88, s6;
	s7 =	simm.s32 @p2 $0x1082  }
0x22: {  	[simem:s7], [sflag:s8] =	dma.local @!p0 [hbm:s6], $0xF7A  }
0x23: {  	s9 =	sor.u32 $0xD0000000, s2;
	s6 =	simm.s32 $0x108;
	_ =	swait.ge @!p0 [sflag:s8], $0x0  }
0x24: {  	s3 =	sadd.s32 $0x88, s3;
	s6 =	simm.s32 @!p1 $0x1082;
	[sflag:s4] =	ssyncset.s32 $0xFFFFF086  }
0x25: {  	[simem:s6], [sflag:s4] =	dma.local [hbm:s3], $0xF7A  }
0x26: {  	[smem:$0x3FA0] =	sst s1;
	(tag) =	ssettag s2;
	_ =	strace s9  }
0x27: {  	s1 =	sld [smem:$0x3FB0]  }
0x28: {  	s2 =	sld [smem:$0x3FB1]  }
0x29: {  	s4 =	sld [smem:$0x3FB3]  }
0x2a: {  	p0 =	seq.s32 s5, $0x0;
	s5 =	sld [smem:$0x3FB4]  }
0x2b: {  	s6 =	sld [smem:$0x3FB5]  }
0x2c: {  	s7 =	sld [smem:$0x3FB6]  }
0x2d: {  	s3 =	simm.s32 $0x108;
	s8 =	sld [smem:$0x3FB7]  }
0x2e: {  	s3 =	simm.s32 @!p0 $0x1082;
	s9 =	sld [smem:$0x3FB8]  }
0x2f: {  	lr =	sadd.s32 s0, s3;
	s0 =	sld [smem:$0x3FAF]  }
0x30: {  	s3 =	sld [smem:$0x3FB2]  }
0x31: {  	[smem:$0x3FBB] =	sst s10  }
0x32: {  	s10 =	sld [smem:$0x3FB9];
	_ =	sdelay $0x3  }
0x33: {  	p0 =	seq.s32 s10, $0x1;
	s10 =	sld [smem:$0x3FBB];
	_ =	sdelay $0x3  }
0x34: {  	[smem:$0x3FBB] =	sst s10  }
0x35: {  	s10 =	sld [smem:$0x3FBA];
	_ =	sdelay $0x3  }
0x36: {  	p1 =	seq.s32 s10, $0x1;
	s10 =	sld [smem:$0x3FBB];
	_ =	sdelay $0x3  }
0x37: {  	[smem:$0x3FBB] =	sst s10  }
0x38: {  	s10 =	sld [smem:$0x3FBC]  }
0x39: {  	_ = 	snop;
	(pc) =	sbr.ind lr, $3  }
0x3a: {  	_ = 	snop  }
0x3b: {  	_ = 	snop  }
0x3c: {  	p2 =	seq.s32 s10, $0x1;
	s10 =	sld [smem:$0x3FBB]  }
0x3d: {  	_ =	shalt  }
0x3e: {  	_ =	shalt  }
0x3f: {  	_ =	shalt  }
0x40: {  	_ =	shalt  }
0x41: {  	_ =	shalt  }
0x42: {  	_ =	shalt  }
0x43: {  	_ =	shalt  }
0x44: {  	_ =	shalt  }
0x45: {  	_ =	shalt  }
0x46: {  	_ =	shalt  }
0x47: {  	_ =	shalt  }
0x48: {  	_ =	shalt  }
0x49: {  	_ =	shalt  }
0x4a: {  	_ =	shalt  }
0x4b: {  	_ =	shalt  }
0x4c: {  	_ =	shalt  }
0x4d: {  	_ =	shalt  }
0x4e: {  	_ =	shalt  }
0x4f: {  	_ =	shalt  }
0x50: {  	_ =	shalt  }
0x51: {  	_ =	shalt  }
0x52: {  	_ =	shalt  }
0x53: {  	_ =	shalt  }
0x54: {  	_ =	shalt  }
0x55: {  	_ =	shalt  }
0x56: {  	_ =	shalt  }
0x57: {  	_ =	shalt  }
0x58: {  	_ =	shalt  }
0x59: {  	_ =	shalt  }
0x5a: {  	_ =	shalt  }
0x5b: {  	_ =	shalt  }
0x5c: {  	_ =	shalt  }
0x5d: {  	_ =	shalt  }
0x5e: {  	_ =	shalt  }
0x5f: {  	_ =	shalt  }
0x60: {  	_ =	shalt  }
0x61: {  	_ =	shalt  }
0x62: {  	_ =	shalt  }
0x63: {  	_ =	shalt  }
0x64: {  	_ =	shalt  }
0x65: {  	_ =	shalt  }
0x66: {  	_ =	shalt  }
0x67: {  	_ =	shalt  }
0x68: {  	_ =	shalt  }
0x69: {  	_ =	shalt  }
0x6a: {  	_ =	shalt  }
0x6b: {  	_ =	shalt  }
0x6c: {  	_ =	shalt  }
0x6d: {  	_ =	shalt  }
0x6e: {  	_ =	shalt  }
0x6f: {  	_ =	shalt  }
0x70: {  	_ =	shalt  }
0x71: {  	_ =	shalt  }
0x72: {  	_ =	shalt  }
0x73: {  	_ =	shalt  }
0x74: {  	_ =	shalt  }
0x75: {  	_ =	shalt  }
0x76: {  	_ =	shalt  }
0x77: {  	_ =	shalt  }
0x78: {  	_ =	shalt  }
0x79: {  	_ =	shalt  }
0x7a: {  	_ =	shalt  }
0x7b: {  	_ =	shalt  }
0x7c: {  	_ =	shalt  }
0x7d: {  	_ =	shalt  }
0x7e: {  	_ =	shalt  }
0x7f: {  	_ =	shalt  }
0x80: {  	_ =	shalt  }
0x81: {  	_ =	shalt  }
0x82: {  	_ =	shalt  }
0x83: {  	_ =	shalt  }
0x84: {  	_ =	shalt  }
0x85: {  	_ =	shalt  }
0x86: {  	_ =	shalt  }
0x87: {  	_ =	shalt  }
.Lfunc_end0:
.L_simem_size_0:
called_computation_lowered:
.L_overlay_start_0:
0x88: {  	s2 =	sld [smem:$0x3FD9]  }
0x89: {  	s3 =	sld [smem:$0x3FFE];
	_ =	sdelay $0x1  }
0x8a: {  	s1 =	srdreg.scid  }
0x8b: {  	s0 =	sand.u32 $0x1, s1  }
0x8c: {  	s16 =	sshll.u32 s0, $0xA;
	s2 =	sadd.s32 s3, s2  }
0x8d: {  	s2 =	sadd.s32 s2, s16  }
0x8e: {  	[smem:$0x3FC7] =	sst s2  }
0x8f: {  	_ = 	snop  }
0x90: {  	(tm) =	ssettm $0x1  }
0x91: {  	s17 =	sld [smem:$0x3FFB];
	_ =	sdelay $0x3  }
0x92: {  	_ =	strace s17  }
0x93: {  	s2 =	sld [smem:$0x3FFC];
	_ =	sdelay $0x3  }
0x94: {  	_ =	strace s2  }
0x95: {  	s2 =	sld [smem:$0x3FFD];
	_ =	sdelay $0x3  }
0x96: {  	_ =	strace s2  }
0x97: {  	_ =	strace $0x8FFFFFFF  }
0x98: {  	s18 =	sld [smem:$0x3FDB];
	_ =	sdelay $0x1  }
0x99: {  	s19 =	simm.s32 $_scs_section_size  }
0x9a: {  	s4 =	simm.s32 $_size__tile_overlayer_lowered;
	s5 =	simm.s32 $_tile_overlayer_lowered  }
0x9b: {  	s22 =	simm.s32 $0x1BFF;
	s21 =	sshll.u32 s5, $0x1;
	s2 =	sadd.s32 s19, s18  }
0x9c: {  	s6 =	simm.s32 $0x0;
	s20 =	sshll.u32 s4, $0x1;
	s4 =	sadd.s32 s21, s2  }
0x9d: {  	[timem:s6], [sflag:s22] =	dma.local [hbm:s4], s20  }
0x9e: {  	_ =	swait.ge [sflag:s22], s20  }
0x9f: {  	s3 =	ssub.s32 $0x0, s20;
	[sflag:s22] =	ssyncset.done $0x0  }
0xa0: {  	[sflag:s22] =	ssyncadd.s32 s3;
	_ =	sdelay $0x1  }
0xa1: {  	s23 =	simm.s32 $0x1B8B  }
0xa2: {  	_ =	swait.ge [sflag:s23], $0x1  }
0xa3: {  	[sflag:s23] =	ssyncset.done $0x0  }
0xa4: {  	s25 =	simm.s32 $0x1B8E;
	s24 =	sld [smem:$0x3FFE];
	[sflag:s23] =	ssyncadd.s32 $0xFFFFFFFF  }
0xa5: {  	s26 =	simm.s32 $execute0_lowered;
	[smem:$0x3FD2] =	sst s25  }
0xa6: {  	s4 =	sshll.u32 s26, $0x1;
	_ =	strace $0x80000046;
	[dreg:$0x1] =	wrdreg $0xFFFFFFFF  }
0xa7: {  	s28 =	simm.s32 $_size_execute0_lowered;
	s2 =	sadd.s32 s2, s4;
	[dreg:$0x0] =	wrdreg $0x0  }
0xa8: {  	s4 =	sshll.u32 s28, $0x1;
	[dreg:$0x2] =	wrdreg s2  }
0xa9: {  	[dreg:$0x3] =	wrdreg s4  }
0xaa: {  	[dreg:$0x4] =	wrdreg $0xC0  }
0xab: {  	_ =	task [dreg:s6], $0x5FFFF  }
0xac: {  	[dreg:$0x1] =	wrdreg $0xFFFFFFFF  }
0xad: {  	[dreg:$0x0] =	wrdreg $0x60  }
0xae: {  	[dreg:$0x2] =	wrdreg s24  }
0xaf: {  	[dreg:$0x3] =	wrdreg $0x9  }
0xb0: {  	_ =	task.clear_ibuf [dreg:s6], $0x4FFFF;
	_ =	strace $0x90000046  }
0xb1: {  	s29 =	simm.s32 $0x9;
	_ =	strace $0x80000048  }
0xb2: {  	_ =	swait.ge [sflag:s29], $0x1  }
0xb3: {  	[sflag:s29] =	ssyncadd.s32 $0xFFFFFFFF  }
0xb4: {  	_ =	strace $0x90000048  }
0xb5: {  	_ =	sfence  }
0xb6: {  	s30 =	sld [smem:$0x0];
	_ =	sdelay $0x2  }
0xb7: {  	s31 =	sshll.u32 s1, $0xD;
	s1 =	sshrl.u32 s1, $0x2  }
0xb8: {  	s3 =	sand.u32 $0x4000, s31;
	s1 =	sadd.s32 s1, s30  }
0xb9: {  	s0 =	sor.u32 s3, s0;
	s1 =	sshll.u32 s1, $0x11  }
0xba: {  	s0 =	sor.u32 s1, s0  }
0xbb: {  	s0 =	sadd.s32 $0x8F2B, s0  }
0xbc: {  	[sflag:s0] =	ssyncadd.remote.s32 $0x1  }
0xbd: {  	_ =	sfence.sel $0xFFFF  }
0xbe: {  	[dreg:$0x0] =	wrdreg $0xFFFFFFFF;
	(pc) =	sbr.abs _section_cstart, $3  }
0xbf: {  	[dreg:$0x1] =	wrdreg $0xFFFFFFFF  }
0xc0: {  	_ =	task.clear_ibuf [dreg:s6], $0x2FFFF;
	_ =	strace $0x9FFFFFFF  }
0xc1: {  	(tm) =	ssettm $0x7FFFFFFF  }
tec
execute0_lowered:
.L_overlay_start_1:
0x0: {  	(tag) =	ssettag $0x1  }
0x1: {  	v0 =	vimm.s32 $0x5B524940  }
0x2: {  	v1 =	vimm.s32 $0x7F766D64;
	v2 =	vimm.s32 $0x1B120900;
	vm0 =	vcmask $0x1F10  }
0x3: {  	v3 =	vimm.s32 $0x3F362D24;
	v4 =	vimm.s32 $0x5C534A41;
	v5 =	vimm.s32 $0x78776E65  }
0x4: {  	v6 =	vimm.s32 $0x79706F66;
	v7 =	vimm.s32 $0x1D140B02;
	v8 =	vimm.s32 $0x39302F26  }
0x5: {  	v9 =	vimm.s32 $0x1F160D04;
	v10 =	vimm.s32 $0x3B322920;
	v11 =	vimm.s32 $0x8040201  }
0x6: {  	v12 =	vimm.s32 $0x80402010;
	v13 =	vimm.s32 $0x7E756C63;
	v14 =	vimm.s32 $0x1A110807  }
0x7: {  	v15 =	vimm.s32 $0x3E352C23;
	v0 =	vunpack.c.0.s8.s32 v0;
	v1 =	vunpack.c.0.s8.s32 v1  }
0x8: {  	v2 =	vunpack.c.0.s8.s32 v2;
	v3 =	vunpack.c.0.s8.s32 v3;
	v4 =	vunpack.c.0.s8.s32 v4  }
0x9: {  	v5 =	vunpack.c.0.s8.s32 v5;
	v6 =	vunpack.c.0.s8.s32 v6;
	v9 =	vunpack.c.0.s8.s32 v9  }
0xa: {  	v10 =	vunpack.c.0.s8.s32 v10;
	v11 =	vunpack.c.0.s8.s32 v11;
	v12 =	vunpack.c.0.s8.s32 v12  }
0xb: {  	v13 =	vunpack.c.0.s8.s32 v13;
	v0 =	vsel vm0, v1, v0;
	v1 =	vsel vm0, v3, v2  }
0xc: {  	v2 =	vsel vm0, v5, v4;
	v3 =	vimm.s32 $0x1C130A01;
	v4 =	vimm.s32 $0x38372E25  }
0xd: {  	v5 =	vimm.s32 $0x5D544B42;
	v3 =	vunpack.c.0.s8.s32 v3;
	v4 =	vunpack.c.0.s8.s32 v4  }
0xe: {  	v14 =	vunpack.c.0.s8.s32 v14;
	v15 =	vunpack.c.0.s8.s32 v15;
	v5 =	vunpack.c.0.s8.s32 v5  }
0xf: {  	v3 =	vsel vm0, v4, v3;
	v4 =	vunpack.c.0.s8.s32 v7;
	v7 =	vunpack.c.0.s8.s32 v8  }
0x10: {  	v0 =	vcombine.low v1, v0;
	v8 =	vimm.s32 $0x7B726960;
	v1 =	vcombine.low v3, v2  }
0x11: {  	v2 =	vsel vm0, v6, v5;
	v5 =	vimm.s32 $0x7A716867;
	v3 =	vsel vm0, v7, v4  }
0x12: {  	v6 =	vimm.s32 $0x3A312827;
	v4 =	vimm.s32 $0x5E554C43;
	v2 =	vcombine.low v3, v2  }
0x13: {  	v3 =	vunpack.c.0.s8.s32 v4;
	v4 =	vunpack.c.0.s8.s32 v5;
	v5 =	vimm.s32 $0x1E150C03  }
0x14: {  	v7 =	vimm.s32 $0x5F564D44;
	v6 =	vunpack.c.0.s8.s32 v6;
	v5 =	vunpack.c.0.s8.s32 v5  }
0x15: {  	v16 =	vsel vm0, v12, v11;
	v8 =	vunpack.c.0.s8.s32 v8;
	v7 =	vunpack.c.0.s8.s32 v7  }
0x16: {  	v3 =	vsel vm0, v4, v3;
	v4 =	vsel vm0, v6, v5;
	v5 =	vimm.s32 $0x58574E45  }
0x17: {  	v6 =	vsel vm0, v8, v7;
	v7 =	vsel vm0, v10, v9;
	v8 =	vimm.s32 $0x7C736A61  }
0x18: {  	v9 =	vimm.s32 $0x18170E05;
	v10 =	vimm.s32 $0x3C332A21;
	v5 =	vunpack.c.0.s8.s32 v5  }
0x19: {  	v8 =	vunpack.c.0.s8.s32 v8;
	v9 =	vunpack.c.0.s8.s32 v9;
	v10 =	vunpack.c.0.s8.s32 v10  }
0x1a: {  	v11 =	vsel vm0, v11, v12;
	v3 =	vcombine.low v4, v3;
	v4 =	vcombine.low v7, v6  }
0x1b: {  	v7 =	vimm.s32 $0x59504F46;
	v5 =	vsel vm0, v8, v5;
	v6 =	vsel vm0, v10, v9  }
0x1c: {  	v5 =	vcombine.low v6, v5;
	v6 =	vunpack.c.0.s8.s32 v7;
	v7 =	vimm.s32 $0x7D746B62  }
0x1d: {  	v8 =	vimm.s32 $0x19100F06;
	v9 =	vimm.s32 $0x3D342B22;
	v7 =	vunpack.c.0.s8.s32 v7  }
0x1e: {  	v10 =	vimm.s32 $0x5A514847;
	v8 =	vunpack.c.0.s8.s32 v8;
	v9 =	vunpack.c.0.s8.s32 v9  }
0x1f: {  	v63 =	vcombine.low v11, v11;
	v10 =	vunpack.c.0.s8.s32 v10;
	v6 =	vsel vm0, v7, v6  }
0x20: {  	v7 =	vsel vm0, v9, v8;
	v8 =	vcombine.low v16, v16;
	v9 =	vsel vm0, v15, v14  }
0x21: {  	v16 =	vimm.s32 $0x4020180;
	v6 =	vcombine.low v7, v6;
	v7 =	vsel vm0, v13, v10  }
0x22: {  	v13 =	vimm.s32 $0x20100804;
	v7 =	vcombine.low v9, v7;
	v9 =	vimm.s32 $0x10080402  }
0x23: {  	v16 =	vunpack.c.0.s8.s32 v16;
	v10 =	vunpack.c.0.s8.s32 v9;
	v9 =	vimm.s32 $0x1804020  }
0x24: {  	s3 =	rddreg [dreg:$0x0];
	v8 =	vand.u32 $0xFF, v8;
	v14 =	vunpack.c.0.s8.s32 v9;
	v9 =	vimm.s32 $0x2018040  }
0x25: {  	s0 =	rddreg [dreg:$0x1];
	v13 =	vunpack.c.0.s8.s32 v13;
	v15 =	vunpack.c.0.s8.s32 v9;
	v9 =	vimm.s32 $0x40201008  }
0x26: {  	s2 =	simm.s32 $0x0;
	s4 =	srdreg.scid;
	s1 =	stileid.u32;
	v17 =	vsel vm0, v14, v10;
	v18 =	vunpack.c.0.s8.s32 v9;
	v9 =	vimm.f32 $0.0e+00  }
0x27: {  	[smem:$0x7FF] =	sst s2;
	s4 =	sand.u32 $0x1, s4;
	s5 =	sshll.u32 s1, $0x1;
	v10 =	vsel vm0, v10, v14;
	v17 =	vcombine.low v17, v17;
	v19 =	vsel vm0, v15, v13  }
0x28: {  	s8 =	simm.s32 $0x0;
	_ =	strace $0x80000047;
	s5 =	sor.u32 s4, s5;
	v14 =	vcombine.low v10, v10;
	v11 =	vsel vm0, v13, v15;
	v19 =	vcombine.low v19, v19  }
0x29: {  	s4 =	ssub.s32 $0x2, s4;
	s6 =	sshll.u32 s5, $0xC;
	s5 =	sshll.u32 s5, $0x9;
	v20 =	vsel vm0, v16, v18;
	v13 =	vsel vm0, v18, v16;
	v15 =	vcombine.low v11, v11  }
0x2a: {  	s7 =	sshrl.u32 s4, $0x1;
	s6 =	sadd.s32 s6, s3;
	s5 =	sadd.s32 s5, s3;
	v12 =	vcombine.low v20, v20;
	v10 =	vand.u32 $0xFF, v17;
	v16 =	vcombine.low v13, v13  }
0x2b: {  	s7 =	ssub.s32 s4, s7;
	s3 =	sadd.s32 $0x400400, s6;
	s4 =	sadd.s32 $0x400, s5;
	v13 =	vand.u32 $0xFF, v63;
	v14 =	vand.u32 $0xFF, v14;
	v11 =	vand.u32 $0xFF, v19  }
0x2c: {  	s5 =	smax.u32 s7, $0x1;
	s6 =	simm.s32 $0x1;
	s7 =	simm.s32 $0x8000;
	v15 =	vand.u32 $0xFF, v15;
	v12 =	vand.u32 $0xFF, v12;
	v16 =	vand.u32 $0xFF, v16  }
.LBB2_1:
0x2d: {  	v17 =	vor.u32 s2, v3  }
0x2e: {  	[tilespmem:s2], [sflag:$0x1] =	stream.linear.gather [hbm4b:s3+s2], $0x8000, $0x38;
	v18 =	vor.u32 s2, v0;
	[tilespmem:$0x9000] =	vst v63  }
0x2f: {  	v19 =	vor.u32 s2, v7;
	_ =	swait.ge [sflag:s6], $0x8000  }
0x30: {  	v20 =	vor.u32 s2, v1;
	[sflag:s6] =	ssyncset.done $0x0  }
0x31: {  	v22 =	vor.u32 s2, v2;
	[sflag:s6] =	ssyncadd.s32 $0xFFFF8000  }
0x32: {  	v17 =	vld.idx.msk [tilespmem:v17+s2+$0x0], $0xffff  }
0x33: {  	v18 =	vld.idx.msk [tilespmem:v18+s2+$0x0], $0xffff  }
0x34: {  	v21 =	vld.idx.msk [tilespmem:v19+s2+$0x0], $0xffff  }
0x35: {  	v19 =	vld.idx.msk [tilespmem:v20+s2+$0x0], $0xffff  }
0x36: {  	v22 =	vld.idx.msk [tilespmem:v22+s2+$0x0], $0xffff  }
0x37: {  	v23 =	vor.u32 s2, v5  }
0x38: {  	v26 =	vor.u32 s2, v6;
	v20 =	vor.u32 s2, v4;
	v24 =	vshrl.u32 v17, $0x10  }
0x39: {  	v25 =	vmul.f32 v17, v17;
	v27 =	vshrl.u32 v18, $0x10;
	v28 =	vmul.f32 v21, v21  }
0x3a: {  	v29 =	vshrl.u32 v21, $0x10;
	v30 =	vmul.f32 v18, v18;
	v31 =	vshrl.u32 v19, $0x10  }
0x3b: {  	v33 =	vshrl.u32 v22, $0x10;
	v60 =	vmul.f32 v22, v22;
	v27 =	vand.u32 $0x1, v27  }
0x3c: {  	v24 =	vand.u32 $0x1, v24;
	v29 =	vand.u32 $0x1, v29;
	v18 =	vadd.s32 v27, v18  }
0x3d: {  	v20 =	vld.idx.msk [tilespmem:v20+s2+$0x0], $0xffff;
	v17 =	vadd.s32 v24, v17;
	v24 =	vand.u32 $0x1, v31;
	v25 =	vadd.f32 v28, v25  }
0x3e: {  	v21 =	vadd.s32 v29, v21;
	v18 =	vadd.s32 $0x7FFF, v18;
	v24 =	vadd.s32 v24, v19  }
0x3f: {  	v17 =	vadd.s32 $0x7FFF, v17;
	v21 =	vadd.s32 $0x7FFF, v21;
	v27 =	vand.u32 $0xFFFF0000, v18  }
0x40: {  	v18 =	vld.idx.msk [tilespmem:v23+s2+$0x0], $0xffff;
	v23 =	vmul.f32 v19, v19;
	v19 =	vadd.s32 $0x7FFF, v24;
	v31 =	vand.u32 $0xFFFF0000, v17  }
0x41: {  	v24 =	vadd.f32 $0.0e+00, v27;
	v28 =	vand.u32 $0xFFFF0000, v19;
	vm1 =	vgt.f32 v27, $5.000000000e-01  }
0x42: {  	vm3 =	vgt.f32 v31, $5.000000000e-01;
	v37 =	vmul.f32 v20, v20;
	vm2 =	vgt.f32 v28, $5.000000000e-01  }
0x43: {  	v19 =	vld.idx.msk [tilespmem:v26+s2+$0x0], $0xffff;
	v34 =	vnsel vm3, $0x0, v31;
	v36 =	vsel vm3, $0x3F800000, v9;
	v17 =	vnsel vm1, $0x0, v24  }
0x44: {  	v24 =	vsel vm1, $0x3F800000, v9;
	v26 =	vnsel vm2, $0x0, v28;
	v32 =	vsel vm2, $0x3F800000, v9  }
0x45: {  	v17 =	vadd.f32 v26, v17;
	v24 =	vadd.f32 v32, v24;
	v26 =	vand.u32 $0x1, v33  }
0x46: {  	v59 =	vshrl.u32 v18, $0x10;
	v22 =	vadd.s32 v26, v22;
	v26 =	vshrl.u32 v20, $0x10  }
0x47: {  	v26 =	vand.u32 $0x1, v26;
	v32 =	vand.u32 $0x1, v59;
	v22 =	vadd.s32 $0x7FFF, v22  }
0x48: {  	v35 =	vshrl.u32 v19, $0x10;
	v38 =	vmul.f32 v19, v19;
	v22 =	vand.u32 $0xFFFF0000, v22  }
0x49: {  	v35 =	vand.u32 $0x1, v35;
	v20 =	vadd.s32 v26, v20;
	vm5 =	vgt.f32 v22, $5.000000000e-01  }
0x4a: {  	v26 =	vadd.f32 v37, v30;
	v32 =	vadd.s32 v32, v18;
	v30 =	vnsel vm5, $0x0, v22  }
0x4b: {  	v18 =	vmul.f32 v18, v18;
	v20 =	vadd.s32 $0x7FFF, v20;
	v17 =	vadd.f32 v30, v17  }
0x4c: {  	v19 =	vadd.s32 v35, v19;
	v32 =	vadd.s32 $0x7FFF, v32;
	v20 =	vand.u32 $0xFFFF0000, v20  }
0x4d: {  	vm6 =	vgt.f32 v20, $5.000000000e-01;
	v30 =	vsel vm5, $0x3F800000, v9;
	v17 =	vadd.f32 v34, v17  }
0x4e: {  	v61 =	vnsel vm6, $0x0, v20;
	v24 =	vadd.f32 v30, v24;
	v30 =	vand.u32 $0xFFFF0000, v32  }
0x4f: {  	v19 =	vadd.s32 $0x7FFF, v19;
	vm7 =	vgt.f32 v30, $5.000000000e-01;
	v17 =	vadd.f32 v61, v17  }
0x50: {  	v18 =	vadd.f32 v18, v23;
	v19 =	vand.u32 $0xFFFF0000, v19;
	v23 =	vnsel vm7, $0x0, v30  }
0x51: {  	vm4 =	vgt.f32 v19, $5.000000000e-01;
	v24 =	vadd.f32 v36, v24;
	v23 =	vadd.f32 v23, v17  }
0x52: {  	v62 =	vsel vm6, $0x3F800000, v9;
	v29 =	vnsel vm4, $0x0, v19;
	v17 =	vand.u32 $0xFFFF0000, v21  }
0x53: {  	v21 =	vadd.f32 v62, v24;
	vm0 =	vgt.f32 v17, $5.000000000e-01;
	v23 =	vadd.f32 v29, v23  }
0x54: {  	v24 =	vadd.f32 v38, v60;
	v29 =	vsel vm7, $0x3F800000, v9;
	v63 =	vnsel vm0, $0x0, v17  }
0x55: {  	v21 =	vadd.f32 v29, v21;
	v23 =	vadd.f32 v63, v23  }
0x56: {  	v18 =	vadd.f32 v25, v18;
	v25 =	vsel vm4, $0x3F800000, v9;
	v24 =	vadd.f32 v24, v26  }
0x57: {  	v21 =	vadd.f32 v25, v21;
	v25 =	vadd.f32 v23, v23  }
0x58: {  	v18 =	vadd.f32 v18, v24;
	v24 =	vsel vm0, $0x3F800000, v9  }
0x59: {  	v21 =	vadd.f32 v24, v21;
	v24 =	vadd.f32 $1.000000000e+00, v25  }
0x5a: {  	v25 =	vsub.f32 v18, v25  }
0x5b: {  	v26 =	vadd.f32 $1.000000000e+00, v21;
	v24 =	vsub.f32 v18, v24;
	_ =	sdelay $0x1  }
0x5c: {  	v25 =	vadd.f32 v25, v21;
	v24 =	vadd.f32 v24, v26;
	_ =	sdelay $0x1  }
0x5d: {  	vm8 =	veq.f32 v27, $5.000000000e-01;
	vm9 =	vlt.f32 v24, v25  }
0x5e: {  	vm8 =	vmand vm8, vm9  }
0x5f: {  	v24 =	vsel vm8, $0x3F000000, v9  }
0x60: {  	v23 =	vadd.f32 v24, v23;
	_ =	sdelay $0x1  }
0x61: {  	v25 =	vsel vm8, $0x3F800000, v9;
	v24 =	vadd.f32 v23, v23  }
0x62: {  	v21 =	vadd.f32 v25, v21  }
0x63: {  	v25 =	vadd.f32 $1.000000000e+00, v24  }
0x64: {  	v26 =	vadd.f32 $1.000000000e+00, v21  }
0x65: {  	v24 =	vsub.f32 v18, v24;
	v25 =	vsub.f32 v18, v25;
	_ =	sdelay $0x1  }
0x66: {  	v24 =	vadd.f32 v24, v21;
	v25 =	vadd.f32 v25, v26;
	_ =	sdelay $0x1  }
0x67: {  	vm14 =	veq.f32 v28, $5.000000000e-01;
	vm10 =	vlt.f32 v25, v24  }
0x68: {  	vm9 =	vmand vm14, vm10  }
0x69: {  	v24 =	vsel vm9, $0x3F000000, v9  }
0x6a: {  	v23 =	vadd.f32 v24, v23;
	_ =	sdelay $0x1  }
0x6b: {  	v25 =	vsel vm9, $0x3F800000, v9;
	v24 =	vadd.f32 v23, v23  }
0x6c: {  	v21 =	vadd.f32 v25, v21  }
0x6d: {  	v25 =	vadd.f32 $1.000000000e+00, v24  }
0x6e: {  	v26 =	vadd.f32 $1.000000000e+00, v21  }
0x6f: {  	v24 =	vsub.f32 v18, v24;
	v25 =	vsub.f32 v18, v25;
	_ =	sdelay $0x1  }
0x70: {  	v24 =	vadd.f32 v24, v21;
	v25 =	vadd.f32 v25, v26;
	_ =	sdelay $0x1  }
0x71: {  	vm15 =	veq.f32 v22, $5.000000000e-01;
	vm11 =	vlt.f32 v25, v24  }
0x72: {  	vm10 =	vmand vm15, vm11  }
0x73: {  	v22 =	vsel vm10, $0x3F000000, v9  }
0x74: {  	v22 =	vadd.f32 v22, v23;
	_ =	sdelay $0x1  }
0x75: {  	v24 =	vsel vm10, $0x3F800000, v9;
	v23 =	vadd.f32 v22, v22  }
0x76: {  	v21 =	vadd.f32 v24, v21  }
0x77: {  	v24 =	vadd.f32 $1.000000000e+00, v23  }
0x78: {  	v25 =	vadd.f32 $1.000000000e+00, v21  }
0x79: {  	v23 =	vsub.f32 v18, v23;
	v24 =	vsub.f32 v18, v24;
	_ =	sdelay $0x1  }
0x7a: {  	v23 =	vadd.f32 v23, v21;
	v24 =	vadd.f32 v24, v25;
	_ =	sdelay $0x1  }
0x7b: {  	vm11 =	veq.f32 v31, $5.000000000e-01;
	vm12 =	vlt.f32 v24, v23  }
0x7c: {  	vm11 =	vmand vm11, vm12  }
0x7d: {  	v23 =	vsel vm11, $0x3F000000, v9  }
0x7e: {  	v22 =	vadd.f32 v23, v22;
	_ =	sdelay $0x1  }
0x7f: {  	v24 =	vsel vm11, $0x3F800000, v9;
	v23 =	vadd.f32 v22, v22  }
0x80: {  	v21 =	vadd.f32 v24, v21  }
0x81: {  	v24 =	vadd.f32 $1.000000000e+00, v23  }
0x82: {  	v25 =	vadd.f32 $1.000000000e+00, v21  }
0x83: {  	v23 =	vsub.f32 v18, v23;
	v24 =	vsub.f32 v18, v24;
	_ =	sdelay $0x1  }
0x84: {  	v23 =	vadd.f32 v23, v21;
	v24 =	vadd.f32 v24, v25;
	_ =	sdelay $0x1  }
0x85: {  	vm12 =	veq.f32 v20, $5.000000000e-01;
	vm13 =	vlt.f32 v24, v23  }
0x86: {  	vm12 =	vmand vm12, vm13  }
0x87: {  	v20 =	vsel vm12, $0x3F000000, v9  }
0x88: {  	v20 =	vadd.f32 v20, v22;
	_ =	sdelay $0x1  }
0x89: {  	v23 =	vsel vm12, $0x3F800000, v9;
	v22 =	vadd.f32 v20, v20  }
0x8a: {  	v21 =	vadd.f32 v23, v21  }
0x8b: {  	v23 =	vadd.f32 $1.000000000e+00, v22  }
0x8c: {  	v24 =	vadd.f32 $1.000000000e+00, v21  }
0x8d: {  	v22 =	vsub.f32 v18, v22;
	v23 =	vsub.f32 v18, v23;
	_ =	sdelay $0x1  }
0x8e: {  	v22 =	vadd.f32 v22, v21;
	v23 =	vadd.f32 v23, v24;
	_ =	sdelay $0x1  }
0x8f: {  	vm13 =	veq.f32 v30, $5.000000000e-01;
	vm14 =	vlt.f32 v23, v22  }
0x90: {  	vm13 =	vmand vm13, vm14  }
0x91: {  	v22 =	vsel vm13, $0x3F000000, v9  }
0x92: {  	v23 =	vadd.f32 v22, v20;
	_ =	sdelay $0x1  }
0x93: {  	v22 =	vsel vm13, $0x3F800000, v9;
	v20 =	vadd.f32 v23, v23  }
0x94: {  	v27 =	vadd.f32 v22, v21  }
0x95: {  	v21 =	vadd.f32 $1.000000000e+00, v20  }
0x96: {  	v28 =	vnsel vm3, $0x0, v12;
	v29 =	vnsel vm6, $0x0, v13;
	v26 =	vadd.f32 $1.000000000e+00, v27  }
0x97: {  	v25 =	vnsel vm5, $0x0, v11;
	v20 =	vsub.f32 v18, v20;
	v21 =	vsub.f32 v18, v21  }
0x98: {  	v30 =	vnsel vm7, $0x0, v14;
	v24 =	vnsel vm1, $0x0, v8;
	v22 =	vnsel vm2, $0x0, v10  }
0x99: {  	v22 =	vadd.s32 v24, v22;
	v20 =	vadd.f32 v20, v27;
	v24 =	vadd.f32 v21, v26  }
0x9a: {  	vm1 =	veq.f32 v19, $5.000000000e-01;
	v22 =	vadd.s32 v25, v22;
	v25 =	vnsel vm9, $0x0, v10  }
0x9b: {  	v22 =	vadd.s32 v28, v22;
	v28 =	vnsel vm4, $0x0, v15;
	vm2 =	vlt.f32 v24, v20  }
0x9c: {  	v19 =	vadd.s32 v29, v22;
	v22 =	vnsel vm11, $0x0, v12;
	vm1 =	vmand vm1, vm2  }
0x9d: {  	v19 =	vadd.s32 v30, v19;
	v21 =	vnsel vm8, $0x0, v8;
	v24 =	vsel vm1, $0x3F000000, v9  }
0x9e: {  	v26 =	vnsel vm10, $0x0, v11;
	v20 =	vadd.s32 v28, v19;
	v28 =	vadd.f32 v24, v23  }
0x9f: {  	v29 =	vsel vm1, $0x3F800000, v9;
	v19 =	vnsel vm1, $0x0, v15;
	v24 =	vnsel vm12, $0x0, v13  }
0xa0: {  	s10 =	simm.s32 $0x80;
	s11 =	simm.s32 $0x8000;
	s9 =	simm.s32 $0x8000;
	v23 =	vnsel vm13, $0x0, v14;
	v27 =	vadd.f32 v29, v27;
	v28 =	vadd.f32 v28, v28  }
.LBB2_2:
0xa1: {  	p0 =	sne.s32 s10, $0x7F80  }
0xa2: {  	v29 =	vor.u32 s10, v3;
	s11 =	sadd.s32 $0x10, s11;
	s12 =	smov.u32 s10;
	s10 =	sadd.s32 $0x80, s10  }
0xa3: {  	v30 =	vnsel vm0, $0x0, v16;
	v31 =	vsub.f32 v18, v28;
	v28 =	vadd.f32 $1.000000000e+00, v28  }
0xa4: {  	v20 =	vadd.s32 v30, v20  }
0xa5: {  	v20 =	vadd.s32 v21, v20;
	v21 =	vadd.f32 $1.000000000e+00, v27;
	v18 =	vsub.f32 v18, v28  }
0xa6: {  	v20 =	vadd.s32 v25, v20  }
0xa7: {  	v25 =	vadd.f32 v31, v27;
	v20 =	vadd.s32 v26, v20;
	v18 =	vadd.f32 v18, v21  }
0xa8: {  	v20 =	vadd.s32 v22, v20  }
0xa9: {  	vm0 =	veq.f32 v17, $5.000000000e-01;
	v17 =	vadd.s32 v24, v20;
	vm1 =	vlt.f32 v18, v25  }
0xaa: {  	v17 =	vadd.s32 v23, v17;
	vm0 =	vmand vm0, vm1  }
0xab: {  	v17 =	vadd.s32 v19, v17;
	v18 =	vnsel vm0, $0x0, v16  }
0xac: {  	v19 =	vor.u32 s12, v7;
	v17 =	vadd.s32 v18, v17  }
0xad: {  	v20 =	vor.u32 s12, v4;
	v18 =	vor.u32 s12, v0;
	[tilespmem:s9+$0x0] =	vst v17;
	s9 =	smov.u32 s11  }
0xae: {  	v17 =	vor.u32 s12, v1;
	_ =	sdelay $0x1  }
0xaf: {  	v21 =	vor.u32 s12, v2;
	v22 =	vld.idx.msk [tilespmem:v29+s2+$0x0], $0xffff  }
0xb0: {  	v27 =	vld.idx.msk [tilespmem:v19+s2+$0x0], $0xffff  }
0xb1: {  	v18 =	vld.idx.msk [tilespmem:v18+s2+$0x0], $0xffff  }
0xb2: {  	v17 =	vld.idx.msk [tilespmem:v17+s2+$0x0], $0xffff;
	_ =	sdelay $0x1  }
0xb3: {  	v19 =	vld.idx.msk [tilespmem:v21+s2+$0x0], $0xffff;
	v21 =	vor.u32 s12, v5  }
0xb4: {  	v23 =	vshrl.u32 v22, $0x10;
	v24 =	vmul.f32 v22, v22  }
0xb5: {  	v25 =	vor.u32 s12, v6;
	v23 =	vand.u32 $0x1, v23;
	v26 =	vmul.f32 v27, v27  }
0xb6: {  	v29 =	vshrl.u32 v27, $0x10;
	v28 =	vshrl.u32 v18, $0x10;
	v30 =	vmul.f32 v18, v18  }
0xb7: {  	v22 =	vadd.s32 v23, v22;
	v28 =	vand.u32 $0x1, v28;
	v31 =	vshrl.u32 v17, $0x10  }
0xb8: {  	v18 =	vadd.s32 v28, v18;
	v28 =	vadd.f32 v26, v24;
	v23 =	vld.idx.msk [tilespmem:v21+s2+$0x0], $0xffff;
	v21 =	vand.u32 $0x1, v31  }
0xb9: {  	v18 =	vadd.s32 $0x7FFF, v18;
	v20 =	vld.idx.msk [tilespmem:v20+s2+$0x0], $0xffff;
	v24 =	vadd.s32 v21, v17;
	v17 =	vmul.f32 v17, v17  }
0xba: {  	v22 =	vadd.s32 $0x7FFF, v22;
	v21 =	vand.u32 $0xFFFF0000, v18;
	v26 =	vld.idx.msk [tilespmem:v25+s2+$0x0], $0xffff;
	v18 =	vadd.s32 $0x7FFF, v24  }
0xbb: {  	v22 =	vand.u32 $0xFFFF0000, v22;
	v25 =	vand.u32 $0xFFFF0000, v18;
	v18 =	vadd.f32 $0.0e+00, v21  }
0xbc: {  	v24 =	vshrl.u32 v19, $0x10;
	vm0 =	vgt.f32 v21, $5.000000000e-01;
	vm1 =	vgt.f32 v25, $5.000000000e-01  }
0xbd: {  	v31 =	vsel vm0, $0x3F800000, v9;
	v18 =	vnsel vm0, $0x0, v18;
	v32 =	vnsel vm1, $0x0, v10  }
0xbe: {  	v33 =	vnsel vm0, $0x0, v8;
	v34 =	vnsel vm1, $0x0, v25;
	v35 =	vsel vm1, $0x3F800000, v9  }
0xbf: {  	v32 =	vadd.s32 v33, v32;
	v18 =	vadd.f32 v34, v18;
	v31 =	vadd.f32 v35, v31  }
0xc0: {  	v24 =	vand.u32 $0x1, v24;
	v33 =	vshrl.u32 v23, $0x10;
	v34 =	vmul.f32 v19, v19  }
0xc1: {  	vm0 =	vgt.f32 v22, $5.000000000e-01;
	v19 =	vadd.s32 v24, v19;
	v24 =	vshrl.u32 v20, $0x10  }
0xc2: {  	v35 =	vnsel vm0, $0x0, v22;
	v24 =	vand.u32 $0x1, v24;
	v33 =	vand.u32 $0x1, v33  }
0xc3: {  	v37 =	vsel vm0, $0x3F800000, v9;
	v38 =	vmul.f32 v20, v20;
	v36 =	vshrl.u32 v26, $0x10  }
0xc4: {  	v19 =	vadd.s32 $0x7FFF, v19;
	v39 =	vmul.f32 v26, v26;
	v36 =	vand.u32 $0x1, v36  }
0xc5: {  	v20 =	vadd.s32 v24, v20;
	v30 =	vadd.f32 v38, v30;
	v24 =	vadd.s32 v36, v26  }
0xc6: {  	v26 =	vand.u32 $0xFFFF0000, v19;
	v19 =	vadd.s32 $0x7FFF, v20;
	v20 =	vadd.s32 $0x7FFF, v24  }
0xc7: {  	v24 =	vand.u32 $0xFFFF0000, v19;
	vm2 =	vgt.f32 v26, $5.000000000e-01;
	v19 =	vand.u32 $0xFFFF0000, v20  }
0xc8: {  	vm1 =	vgt.f32 v24, $5.000000000e-01;
	v20 =	vnsel vm2, $0x0, v26;
	v36 =	vsel vm2, $0x3F800000, v9  }
0xc9: {  	v33 =	vadd.s32 v33, v23;
	v23 =	vmul.f32 v23, v23;
	v38 =	vnsel vm2, $0x0, v11  }
0xca: {  	vm2 =	vgt.f32 v19, $5.000000000e-01;
	v32 =	vadd.s32 v38, v32;
	v18 =	vadd.f32 v20, v18  }
0xcb: {  	v17 =	vadd.f32 v23, v17;
	v20 =	vadd.s32 $0x7FFF, v33;
	v33 =	vnsel vm1, $0x0, v24  }
0xcc: {  	v34 =	vadd.f32 v39, v34;
	v31 =	vadd.f32 v36, v31;
	v36 =	vnsel vm2, $0x0, v19  }
0xcd: {  	v17 =	vadd.f32 v28, v17;
	v23 =	vand.u32 $0xFFFF0000, v20;
	v18 =	vadd.f32 v35, v18  }
0xce: {  	v28 =	vadd.f32 v34, v30;
	v20 =	vand.u32 $0x1, v29;
	vm3 =	vgt.f32 v23, $5.000000000e-01  }
0xcf: {  	v30 =	vnsel vm3, $0x0, v23;
	v29 =	vadd.f32 v33, v18;
	v33 =	vsel vm2, $0x3F800000, v9  }
0xd0: {  	v20 =	vadd.s32 v20, v27;
	v27 =	vadd.f32 v37, v31;
	v18 =	vadd.f32 v17, v28  }
0xd1: {  	v17 =	vadd.s32 $0x7FFF, v20;
	v20 =	vsel vm1, $0x3F800000, v9;
	v28 =	vadd.f32 v30, v29  }
0xd2: {  	v17 =	vand.u32 $0xFFFF0000, v17;
	v20 =	vadd.f32 v20, v27;
	v29 =	vnsel vm0, $0x0, v12  }
0xd3: {  	v27 =	vsel vm3, $0x3F800000, v9;
	vm0 =	vgt.f32 v17, $5.000000000e-01;
	v28 =	vadd.f32 v36, v28  }
0xd4: {  	v20 =	vadd.f32 v27, v20;
	v27 =	vnsel vm0, $0x0, v17;
	v30 =	vsel vm0, $0x3F800000, v9  }
0xd5: {  	v31 =	vnsel vm1, $0x0, v13;
	v29 =	vadd.s32 v29, v32;
	v27 =	vadd.f32 v27, v28  }
0xd6: {  	v28 =	vadd.s32 v31, v29;
	v29 =	vnsel vm3, $0x0, v14;
	v31 =	vadd.f32 v33, v20  }
0xd7: {  	v20 =	vadd.s32 v29, v28;
	v28 =	vnsel vm2, $0x0, v15;
	v29 =	vadd.f32 v27, v27  }
0xd8: {  	v20 =	vadd.s32 v28, v20;
	v28 =	vadd.f32 v30, v31  }
0xd9: {  	v30 =	vsub.f32 v18, v29;
	v29 =	vadd.f32 $1.000000000e+00, v29;
	_ =	sdelay $0x1  }
0xda: {  	v31 =	vadd.f32 $1.000000000e+00, v28;
	v29 =	vsub.f32 v18, v29  }
0xdb: {  	v30 =	vadd.f32 v30, v28  }
0xdc: {  	v29 =	vadd.f32 v29, v31;
	_ =	sdelay $0x1  }
0xdd: {  	vm1 =	veq.f32 v21, $5.000000000e-01;
	vm2 =	vlt.f32 v29, v30  }
0xde: {  	vm1 =	vmand vm1, vm2  }
0xdf: {  	v21 =	vnsel vm1, $0x0, v8;
	v29 =	vsel vm1, $0x3F000000, v9;
	v30 =	vsel vm1, $0x3F800000, v9  }
0xe0: {  	v27 =	vadd.f32 v29, v27;
	v28 =	vadd.f32 v30, v28;
	_ =	sdelay $0x1  }
0xe1: {  	v29 =	vadd.f32 v27, v27;
	_ =	sdelay $0x1  }
0xe2: {  	v30 =	vsub.f32 v18, v29;
	v29 =	vadd.f32 $1.000000000e+00, v29;
	_ =	sdelay $0x1  }
0xe3: {  	v31 =	vadd.f32 $1.000000000e+00, v28;
	v29 =	vsub.f32 v18, v29;
	_ =	sdelay $0x1  }
0xe4: {  	v30 =	vadd.f32 v30, v28;
	v29 =	vadd.f32 v29, v31;
	_ =	sdelay $0x1  }
0xe5: {  	vm1 =	veq.f32 v25, $5.000000000e-01;
	vm2 =	vlt.f32 v29, v30  }
0xe6: {  	vm1 =	vmand vm1, vm2  }
0xe7: {  	v25 =	vnsel vm1, $0x0, v10;
	v29 =	vsel vm1, $0x3F000000, v9;
	v30 =	vsel vm1, $0x3F800000, v9  }
0xe8: {  	v27 =	vadd.f32 v29, v27;
	v28 =	vadd.f32 v30, v28;
	_ =	sdelay $0x1  }
0xe9: {  	v29 =	vadd.f32 v27, v27;
	_ =	sdelay $0x1  }
0xea: {  	v30 =	vsub.f32 v18, v29;
	v29 =	vadd.f32 $1.000000000e+00, v29;
	_ =	sdelay $0x1  }
0xeb: {  	v31 =	vadd.f32 $1.000000000e+00, v28;
	v29 =	vsub.f32 v18, v29;
	_ =	sdelay $0x1  }
0xec: {  	v30 =	vadd.f32 v30, v28;
	v29 =	vadd.f32 v29, v31;
	_ =	sdelay $0x1  }
0xed: {  	vm1 =	veq.f32 v26, $5.000000000e-01;
	vm2 =	vlt.f32 v29, v30  }
0xee: {  	vm1 =	vmand vm1, vm2  }
0xef: {  	v26 =	vnsel vm1, $0x0, v11;
	v29 =	vsel vm1, $0x3F000000, v9;
	v30 =	vsel vm1, $0x3F800000, v9  }
0xf0: {  	v27 =	vadd.f32 v29, v27;
	v28 =	vadd.f32 v30, v28;
	_ =	sdelay $0x1  }
0xf1: {  	v29 =	vadd.f32 v27, v27;
	_ =	sdelay $0x1  }
0xf2: {  	v30 =	vsub.f32 v18, v29;
	v29 =	vadd.f32 $1.000000000e+00, v29;
	_ =	sdelay $0x1  }
0xf3: {  	v31 =	vadd.f32 $1.000000000e+00, v28;
	v29 =	vsub.f32 v18, v29;
	_ =	sdelay $0x1  }
0xf4: {  	v30 =	vadd.f32 v30, v28;
	v29 =	vadd.f32 v29, v31;
	_ =	sdelay $0x1  }
0xf5: {  	vm1 =	veq.f32 v22, $5.000000000e-01;
	vm2 =	vlt.f32 v29, v30  }
0xf6: {  	vm1 =	vmand vm1, vm2  }
0xf7: {  	v22 =	vnsel vm1, $0x0, v12;
	v29 =	vsel vm1, $0x3F000000, v9;
	v30 =	vsel vm1, $0x3F800000, v9  }
0xf8: {  	v27 =	vadd.f32 v29, v27;
	v28 =	vadd.f32 v30, v28;
	_ =	sdelay $0x1  }
0xf9: {  	v29 =	vadd.f32 v27, v27;
	_ =	sdelay $0x1  }
0xfa: {  	v30 =	vsub.f32 v18, v29;
	v29 =	vadd.f32 $1.000000000e+00, v29;
	_ =	sdelay $0x1  }
0xfb: {  	v31 =	vadd.f32 $1.000000000e+00, v28;
	v29 =	vsub.f32 v18, v29;
	_ =	sdelay $0x1  }
0xfc: {  	v30 =	vadd.f32 v30, v28;
	v29 =	vadd.f32 v29, v31;
	_ =	sdelay $0x1  }
0xfd: {  	vm1 =	veq.f32 v24, $5.000000000e-01;
	vm2 =	vlt.f32 v29, v30  }
0xfe: {  	vm1 =	vmand vm1, vm2  }
0xff: {  	v24 =	vnsel vm1, $0x0, v13;
	v29 =	vsel vm1, $0x3F000000, v9;
	v30 =	vsel vm1, $0x3F800000, v9  }
0x100: {  	v27 =	vadd.f32 v29, v27;
	v28 =	vadd.f32 v30, v28;
	_ =	sdelay $0x1  }
0x101: {  	v29 =	vadd.f32 v27, v27;
	_ =	sdelay $0x1  }
0x102: {  	v30 =	vsub.f32 v18, v29;
	v29 =	vadd.f32 $1.000000000e+00, v29;
	_ =	sdelay $0x1  }
0x103: {  	v31 =	vadd.f32 $1.000000000e+00, v28;
	v29 =	vsub.f32 v18, v29;
	_ =	sdelay $0x1  }
0x104: {  	v30 =	vadd.f32 v30, v28;
	v29 =	vadd.f32 v29, v31;
	_ =	sdelay $0x1  }
0x105: {  	vm1 =	veq.f32 v23, $5.000000000e-01;
	vm2 =	vlt.f32 v29, v30  }
0x106: {  	vm1 =	vmand vm1, vm2  }
0x107: {  	v23 =	vnsel vm1, $0x0, v14;
	v29 =	vsel vm1, $0x3F000000, v9;
	v30 =	vsel vm1, $0x3F800000, v9  }
0x108: {  	v27 =	vadd.f32 v29, v27;
	v28 =	vadd.f32 v30, v28;
	_ =	sdelay $0x1  }
0x109: {  	v29 =	vadd.f32 v27, v27;
	_ =	sdelay $0x1  }
0x10a: {  	v30 =	vsub.f32 v18, v29;
	v29 =	vadd.f32 $1.000000000e+00, v29;
	_ =	sdelay $0x1  }
0x10b: {  	v31 =	vadd.f32 $1.000000000e+00, v28;
	v29 =	vsub.f32 v18, v29;
	_ =	sdelay $0x1  }
0x10c: {  	v30 =	vadd.f32 v30, v28;
	v29 =	vadd.f32 v29, v31;
	_ =	sdelay $0x1  }
0x10d: {  	vm1 =	veq.f32 v19, $5.000000000e-01;
	vm2 =	vlt.f32 v29, v30  }
.Ltmp0:
0x10e: {  	vm1 =	vmand vm1, vm2;
	(pc) =	sbr.rel @p0 .LBB2_2-.Ltmp0, $3  }
0x10f: {  	v19 =	vnsel vm1, $0x0, v15;
	v29 =	vsel vm1, $0x3F000000, v9;
	v30 =	vsel vm1, $0x3F800000, v9  }
0x110: {  	v29 =	vadd.f32 v29, v27;
	v27 =	vadd.f32 v30, v28;
	_ =	sdelay $0x1  }
0x111: {  	v28 =	vadd.f32 v29, v29  }
0x112: {  	_ = 	snop  }
0x113: {  	v29 =	vnsel vm0, $0x0, v16;
	v30 =	vadd.f32 $1.000000000e+00, v28  }
0x114: {  	v62 =	vadd.f32 $1.000000000e+00, v27;
	v20 =	vadd.s32 v29, v20  }
0x115: {  	v61 =	vsub.f32 v18, v28;
	v20 =	vadd.s32 v21, v20;
	v18 =	vsub.f32 v18, v30  }
0x116: {  	v20 =	vadd.s32 v25, v20  }
0x117: {  	v63 =	vadd.f32 v61, v27;
	v20 =	vadd.s32 v26, v20;
	v18 =	vadd.f32 v18, v62  }
0x118: {  	v20 =	vadd.s32 v22, v20  }
0x119: {  	vm15 =	veq.f32 v17, $5.000000000e-01;
	v17 =	vadd.s32 v24, v20;
	vm1 =	vlt.f32 v18, v63  }
0x11a: {  	v17 =	vadd.s32 v23, v17;
	vm0 =	vmand vm15, vm1  }
0x11b: {  	s8 =	sadd.s32 $0x1, s8;
	v17 =	vadd.s32 v19, v17;
	v18 =	vnsel vm0, $0x0, v16  }
0x11c: {  	p0 =	sne.s32 s8, s5;
	v17 =	vadd.s32 v18, v17  }
.Ltmp1:
0x11d: {  	[tilespmem:s9+$0x0] =	vst v17;
	(pc) =	sbr.rel @p0 .LBB2_1-.Ltmp1, $4  }
0x11e: {  	[hbm4b:s4+s2] =	stream.linear.scatter [tilespmem:s7], [sflag:$0x1], $0x1000, $0x38;
	[tilespmem:$0x9000] =	vst v63  }
0x11f: {  	_ =	swait.ge [sflag:s6], $0x1000  }
0x120: {  	[sflag:s6] =	ssyncset.done $0x0  }
0x121: {  	[sflag:s6] =	ssyncadd.s32 $0xFFFFF000  }
0x122: {  	_ =	sfence.sel $0x180000  }
0x123: {  	[bflag:$0x0] =	sbarrier.arrive $0xFFFF  }
0x124: {  	p0 =	sne.s32 s1, $0x0;
	_ =	strace $0x90000047  }
0x125: {  	s0 =	sadd.s32 @!p0 $0x100000, s0;
	[bflag:$0x2] =	sbarrier.arrive $0xFFFF  }
0x126: {  	[sflag:s0] =	ssyncadd.tile.s32 @!p0 $0x1;
	_ =	shalt  }
.Lfunc_end2:
_tile_overlayer_lowered:
.L_overlay_start_2:
0x127: {  	(tag) =	ssettag $0x2  }
0x128: {  	s0 =	rddreg [dreg:$0x0];
	s2 =	stileid.u32  }
0x129: {  	s1 =	rddreg [dreg:$0x1];
	p0 =	sne.s32 s2, $0x0  }
0x12a: {  	s3 =	rddreg [dreg:$0x2];
	[bflag:$0x3] =	sbarrier.arrive $0xFFFF;
	s2 =	simm.s32 @!p0 $0x1C01  }
0x12b: {  	[timem:s3], [sflag:s2] =	dma.local @!p0 [hbm:s0], s1  }
0x12c: {  	s0 =	simm.s32 @!p0 $0x1  }
0x12d: {  	_ =	swait.ge @!p0 [sflag:s0], s1  }
0x12e: {  	s1 =	ssub.s32 @!p0 $0x0, s1;
	[sflag:s0] =	ssyncset.done @!p0 $0x0  }
0x12f: {  	[sflag:s0] =	ssyncadd.s32 @!p0 s1  }
0x130: {  	[bflag:$0x3] =	sbarrier.arrive $0xFFFF  }
0x131: {  	_ =	shalt  }

</sc_bundles>
